<compile_context>
chip_gen: v7x
topology: tpu7x:2x2x1
jax: 0.10.2.dev20260603
libtpu: 0.0.44.dev20260713+nightly
codegen_flags: <defaults>
</compile_context>

<pallas_src>
import functools

import jax
import jax.numpy as jnp
from jax import lax
from jax.experimental import pallas as pl
from jax.experimental.pallas import tpu as pltpu
from jax.experimental.pallas import tpu_sc as plsc

N_PTS = 2_000_000
FG_RES = 128
BG_RES = 256
FG_SIZE = FG_RES ** 3

NC = 2
NS = 16
NW = NC * NS
LANES = 16

C = 2240
U = 1
G = C // LANES
N_PAD = 2_007_040
CH_W = 28
NCHUNK = N_PAD // C

_mesh = plsc.VectorSubcoreMesh(core_axis_name="c", subcore_axis_name="s")


def _axis(c, inv_ext, szm1_f, szm1_i):
    p = (c * inv_ext + 1.0) * 0.5 * szm1_f
    p = jnp.minimum(jnp.maximum(p, 0.0), szm1_f)
    i0 = p.astype(jnp.int32)
    w = p - i0.astype(jnp.float32)
    i1 = jnp.minimum(i0 + 1, szm1_i)
    return i0, i1, w


@functools.partial(
    pl.kernel,
    mesh=_mesh,
    out_type=jax.ShapeDtypeStruct((N_PAD,), jnp.float32),
    scratch_types=(
        [pltpu.VMEM((C,), jnp.float32) for _ in range(2)]
        + [pltpu.VMEM((C,), jnp.float32) for _ in range(2)]
        + [pltpu.VMEM((C,), jnp.float32) for _ in range(2)]
        + [pltpu.VMEM((8 * C,), jnp.int32) for _ in range(2)]
        + [pltpu.VMEM((8 * C,), jnp.float32) for _ in range(2)]
        + [pltpu.VMEM((C,), jnp.float32) for _ in range(2)]
        + [pltpu.VMEM((C,), jnp.float32) for _ in range(2)]
        + [pltpu.VMEM((C,), jnp.float32) for _ in range(2)]
        + [pltpu.VMEM((C,), jnp.float32) for _ in range(2)]
        + [pltpu.VMEM((C,), jnp.float32) for _ in range(2)]
        + [pltpu.SemaphoreType.DMA for _ in range(6)]
    ),
)
def _sdf_kernel(cw_hbm, ch_hbm, cd_hbm, tab_hbm, out_hbm,
                cw0, cw1, ch0, ch1, cd0, cd1, idx0, idx1, g0, g1,
                wx0, wx1, wy0, wy1, wz0, wz1, m0, m1, o0, o1,
                ld0, ld1, gt0, gt1, st0, st1):
    wid = lax.axis_index("s") * NC + lax.axis_index("c")
    cw_v = (cw0, cw1)
    ch_v = (ch0, ch1)
    cd_v = (cd0, cd1)
    idx_v = (idx0, idx1)
    g_v = (g0, g1)
    wx_v = (wx0, wx1)
    wy_v = (wy0, wy1)
    wz_v = (wz0, wz1)
    m_v = (m0, m1)
    o_v = (o0, o1)
    ld = (ld0, ld1)
    gt = (gt0, gt1)
    st = (st0, st1)

    def chunk_base(ci):
        return (wid + ci * NW) * C

    def fire_load(ci, b):
        base = chunk_base(ci)
        return (
            pltpu.async_copy(cw_hbm.at[pl.ds(base, C)], cw_v[b], ld[b]),
            pltpu.async_copy(ch_hbm.at[pl.ds(base, C)], ch_v[b], ld[b]),
            pltpu.async_copy(cd_hbm.at[pl.ds(base, C)], cd_v[b], ld[b]),
        )

    def fire_gather(b):
        idx = plsc.Indices(idx_v[b], ignored_value=-1)
        return pltpu.async_copy(tab_hbm.at[idx], g_v[b], gt[b])

    def fire_store(ci, b):
        return pltpu.async_copy(o_v[b], out_hbm.at[pl.ds(chunk_base(ci), C)],
                                st[b])

    def p1(b):
        cwb, chb, cdb = cw_v[b], ch_v[b], cd_v[b]
        idxb = idx_v[b]
        wxb, wyb, wzb, mb = wx_v[b], wy_v[b], wz_v[b], m_v[b]

        def body(jj, carry):
            for u in range(U):
                s = (jj * U + u) * LANES
                cw = cwb[pl.ds(s, LANES)]
                ch = chb[pl.ds(s, LANES)]
                cd = cdb[pl.ds(s, LANES)]
                aw, ah, ad = jnp.abs(cw), jnp.abs(ch), jnp.abs(cd)
                in_f = (aw < 1.0) & (ah < 1.0) & (ad < 1.0)
                in_big = (aw < 4.0) & (ah < 4.0) & (ad < 4.0)
                inv_ext = jnp.where(in_f, 1.0, 0.25)
                szm1_f = jnp.where(in_f, 127.0, 255.0)
                szm1_i = jnp.where(in_f, 127, 255)
                str_w = jnp.where(in_f, FG_RES, BG_RES)
                str_hw = jnp.where(in_f, FG_RES * FG_RES, BG_RES * BG_RES)
                vbase = jnp.where(in_f, 0, FG_SIZE)
                x0, x1, wx = _axis(cw, inv_ext, szm1_f, szm1_i)
                y0, y1, wy = _axis(ch, inv_ext, szm1_f, szm1_i)
                z0, z1, wz = _axis(cd, inv_ext, szm1_f, szm1_i)
                zb0 = vbase + z0 * str_hw
                zb1 = vbase + z1 * str_hw
                r00 = zb0 + y0 * str_w
                r01 = zb0 + y1 * str_w
                r10 = zb1 + y0 * str_w
                r11 = zb1 + y1 * str_w
                neg1 = jnp.full((LANES,), -1, jnp.int32)
                idxb[pl.ds(0 * C + s, LANES)] = jnp.where(in_big, r00 + x0, neg1)
                idxb[pl.ds(1 * C + s, LANES)] = jnp.where(in_big, r00 + x1, neg1)
                idxb[pl.ds(2 * C + s, LANES)] = jnp.where(in_big, r01 + x0, neg1)
                idxb[pl.ds(3 * C + s, LANES)] = jnp.where(in_big, r01 + x1, neg1)
                idxb[pl.ds(4 * C + s, LANES)] = jnp.where(in_big, r10 + x0, neg1)
                idxb[pl.ds(5 * C + s, LANES)] = jnp.where(in_big, r10 + x1, neg1)
                idxb[pl.ds(6 * C + s, LANES)] = jnp.where(in_big, r11 + x0, neg1)
                idxb[pl.ds(7 * C + s, LANES)] = jnp.where(in_big, r11 + x1, neg1)
                wxb[pl.ds(s, LANES)] = wx
                wyb[pl.ds(s, LANES)] = wy
                wzb[pl.ds(s, LANES)] = wz
                mb[pl.ds(s, LANES)] = jnp.where(in_big, 0.0, 1.0)
            return carry

        lax.fori_loop(0, G // U, body, 0)

    def p2(b):
        gb = g_v[b]
        wxb, wyb, wzb, mb, ob = wx_v[b], wy_v[b], wz_v[b], m_v[b], o_v[b]

        def body(jj, carry):
            for u in range(U):
                s = (jj * U + u) * LANES
                c000 = gb[pl.ds(0 * C + s, LANES)]
                c001 = gb[pl.ds(1 * C + s, LANES)]
                c010 = gb[pl.ds(2 * C + s, LANES)]
                c011 = gb[pl.ds(3 * C + s, LANES)]
                c100 = gb[pl.ds(4 * C + s, LANES)]
                c101 = gb[pl.ds(5 * C + s, LANES)]
                c110 = gb[pl.ds(6 * C + s, LANES)]
                c111 = gb[pl.ds(7 * C + s, LANES)]
                wx = wxb[pl.ds(s, LANES)]
                wy = wyb[pl.ds(s, LANES)]
                wz = wzb[pl.ds(s, LANES)]
                m = mb[pl.ds(s, LANES)]
                c00 = c000 * (1.0 - wx) + c001 * wx
                c01 = c010 * (1.0 - wx) + c011 * wx
                c10 = c100 * (1.0 - wx) + c101 * wx
                c11 = c110 * (1.0 - wx) + c111 * wx
                c0 = c00 * (1.0 - wy) + c01 * wy
                c1 = c10 * (1.0 - wy) + c11 * wy
                res = c0 * (1.0 - wz) + c1 * wz
                ob[pl.ds(s, LANES)] = jnp.where(m > 0.5, 1.0, res)
            return carry

        lax.fori_loop(0, G // U, body, 0)

    def outer(k, carry):
        a = 2 * k
        dla = fire_load(a, 0)
        dlb = fire_load(a + 1, 1)
        for d in dla:
            d.wait()
        p1(0)
        ga = fire_gather(0)
        for d in dlb:
            d.wait()
        p1(1)
        gb = fire_gather(1)
        ga.wait()
        p2(0)
        sa = fire_store(a, 0)
        gb.wait()
        p2(1)
        sb = fire_store(a + 1, 1)
        sa.wait()
        sb.wait()
        return carry

    lax.fori_loop(0, CH_W // 2, outer, 0)


def kernel(x_i, fg_sdf, bg_sdf):
    i = jnp.arange(N_PAD - N_PTS, dtype=jnp.float32)
    def weyl(alpha):
        return ((i * alpha) % 1.0) * 7.8 - 3.9
    cw = jnp.concatenate([x_i[:, 2], weyl(0.7548776662)])
    ch = jnp.concatenate([x_i[:, 1], weyl(0.5698402910)])
    cd = jnp.concatenate([x_i[:, 0], weyl(0.3648868150)])
    tab = jnp.concatenate([fg_sdf.reshape(-1), bg_sdf.reshape(-1)])
    return _sdf_kernel(cw, ch, cd, tab)[:N_PTS]

# --- scband reference (transcript-rebuilt; emitter-appended) ---
"""Pipeline reference for scband-s-41884521071304 (READ-ONLY COPY).

The authoritative reference and input builder live on the scoring server;
editing this copy changes nothing except your own understanding.
"""

import jax, jax.numpy as jnp
import numpy as np

FG_RES = 128
BG_RES = 256
FG_EXT = 1.0
BG_EXT = 4.0
N_PTS = 2000000


def setup_inputs(seed: int = 0) -> dict:
    key = jax.random.key(seed)
    k1, k2, k3 = jax.random.split(key, 3)
    x_i = jax.random.uniform(k1, (N_PTS, 3), minval=-4.5, maxval=4.5, dtype=jnp.float32)
    fg_sdf = jax.random.normal(k2, (1, 1, FG_RES, FG_RES, FG_RES), dtype=jnp.float32) * 0.1
    bg_sdf = jax.random.normal(k3, (1, 1, BG_RES, BG_RES, BG_RES), dtype=jnp.float32) * 0.1
    return {"x_i": x_i, "fg_sdf": fg_sdf, "bg_sdf": bg_sdf}


def _trilinear_border(vol, grid):
    # vol: [D, H, W]; grid: [M, 3] normalized coords, torch grid_sample convention:
    # grid[:,0] -> W axis, grid[:,1] -> H axis, grid[:,2] -> D axis
    # align_corners=True, padding_mode='border', mode='bilinear' (trilinear in 3D)
    D, H, W = vol.shape

    def unnorm(g, size):
        p = (g + 1.0) * 0.5 * (size - 1)
        return jnp.clip(p, 0.0, float(size - 1))

    px = unnorm(grid[:, 0], W)
    py = unnorm(grid[:, 1], H)
    pz = unnorm(grid[:, 2], D)
    x0 = jnp.floor(px).astype(jnp.int32)
    x1 = jnp.minimum(x0 + 1, W - 1)
    y0 = jnp.floor(py).astype(jnp.int32)
    y1 = jnp.minimum(y0 + 1, H - 1)
    z0 = jnp.floor(pz).astype(jnp.int32)
    z1 = jnp.minimum(z0 + 1, D - 1)
    wx = px - x0.astype(px.dtype)
    wy = py - y0.astype(py.dtype)
    wz = pz - z0.astype(pz.dtype)
    c000 = vol[z0, y0, x0]
    c001 = vol[z0, y0, x1]
    c010 = vol[z0, y1, x0]
    c011 = vol[z0, y1, x1]
    c100 = vol[z1, y0, x0]
    c101 = vol[z1, y0, x1]
    c110 = vol[z1, y1, x0]
    c111 = vol[z1, y1, x1]
    c00 = c000 * (1.0 - wx) + c001 * wx
    c01 = c010 * (1.0 - wx) + c011 * wx
    c10 = c100 * (1.0 - wx) + c101 * wx
    c11 = c110 * (1.0 - wx) + c111 * wx
    c0 = c00 * (1.0 - wy) + c01 * wy
    c1 = c10 * (1.0 - wy) + c11 * wy
    return c0 * (1.0 - wz) + c1 * wz


def _forward(x_i, fg_sdf, bg_sdf):
    # fg_bg_categorize: strict box containment; grid spans [-ext, ext] so min/max = +/-ext
    is_f = jnp.all((x_i > -FG_EXT) & (x_i < FG_EXT), axis=1)
    is_b = jnp.all((x_i > -BG_EXT) & (x_i < BG_EXT), axis=1) & (~is_f)
    # center = 0, scale = ext for symmetric linspace grids; torch.flip(dims=[-1]) on normalized coords
    nf = jnp.flip(x_i / FG_EXT, axis=-1)
    nb = jnp.flip(x_i / BG_EXT, axis=-1)
    f_vals = _trilinear_border(fg_sdf[0, 0], nf)
    b_vals = _trilinear_border(bg_sdf[0, 0], nb)
    # scatter-overwrite semantics: sdf = ones; sdf[is_f] = f; sdf[is_b] = b
    sdf = jnp.where(is_f, f_vals, jnp.where(is_b, b_vals, jnp.float32(1.0)))
    return sdf


def reference(x_i, fg_sdf, bg_sdf):
    return _forward(x_i, fg_sdf, bg_sdf)

if __name__ == "__main__":
    import jax
    _d = setup_inputs()
    print(jax.jit(kernel)(*tuple(_d.values())))

</pallas_src>

<mosaic_0001>
#map = affine_map<(d0, d1) -> (0)>
module attributes {stable_mosaic.version = 14 : i64} {
  func.func @_sdf_kernel(%arg0: i32, %arg1: i32, %arg2: memref<2007040xf32, #tpu.memory_space<hbm>>, %arg3: memref<2007040xf32, #tpu.memory_space<hbm>>, %arg4: memref<2007040xf32, #tpu.memory_space<hbm>>, %arg5: memref<18874368xf32, #tpu.memory_space<hbm>>, %arg6: memref<2007040xf32, #tpu.memory_space<hbm>>, %arg7: memref<2240xf32, #tpu.memory_space<vmem>>, %arg8: memref<2240xf32, #tpu.memory_space<vmem>>, %arg9: memref<2240xf32, #tpu.memory_space<vmem>>, %arg10: memref<2240xf32, #tpu.memory_space<vmem>>, %arg11: memref<2240xf32, #tpu.memory_space<vmem>>, %arg12: memref<2240xf32, #tpu.memory_space<vmem>>, %arg13: memref<17920xi32, #tpu.memory_space<vmem>>, %arg14: memref<17920xi32, #tpu.memory_space<vmem>>, %arg15: memref<17920xf32, #tpu.memory_space<vmem>>, %arg16: memref<17920xf32, #tpu.memory_space<vmem>>, %arg17: memref<2240xf32, #tpu.memory_space<vmem>>, %arg18: memref<2240xf32, #tpu.memory_space<vmem>>, %arg19: memref<2240xf32, #tpu.memory_space<vmem>>, %arg20: memref<2240xf32, #tpu.memory_space<vmem>>, %arg21: memref<2240xf32, #tpu.memory_space<vmem>>, %arg22: memref<2240xf32, #tpu.memory_space<vmem>>, %arg23: memref<2240xf32, #tpu.memory_space<vmem>>, %arg24: memref<2240xf32, #tpu.memory_space<vmem>>, %arg25: memref<2240xf32, #tpu.memory_space<vmem>>, %arg26: memref<2240xf32, #tpu.memory_space<vmem>>, %arg27: memref<!tpu.dma_semaphore, #tpu.memory_space<semaphore_mem>>, %arg28: memref<!tpu.dma_semaphore, #tpu.memory_space<semaphore_mem>>, %arg29: memref<!tpu.dma_semaphore, #tpu.memory_space<semaphore_mem>>, %arg30: memref<!tpu.dma_semaphore, #tpu.memory_space<semaphore_mem>>, %arg31: memref<!tpu.dma_semaphore, #tpu.memory_space<semaphore_mem>>, %arg32: memref<!tpu.dma_semaphore, #tpu.memory_space<semaphore_mem>>) attributes {dimension_semantics = [#tpu.dimension_semantics<core_parallel>, #tpu.dimension_semantics<subcore_parallel>], iteration_bounds = array<i64: 2, 16>, scalar_prefetch = 0 : i64, scratch_operands = 26 : i64, tpu.core_type = #tpu.core_type<sc_vector_subcore>, window_params = [{transform_indices = #map}, {transform_indices = #map}, {transform_indices = #map}, {transform_indices = #map}, {transform_indices = #map}]} {
    %mul3A = arith.constant 2 : i32
    %mul3A_0 = arith.muli %arg1, %mul3A : i32
    %add3A = arith.addi %mul3A_0, %arg0 : i32
    %scan3A = arith.constant 0 : i32
    %scan3A_1 = arith.constant 0 : i32
    %scan3A_2 = arith.constant 14 : i32
    %scan3A_3 = arith.addi %scan3A_1, %scan3A_2 : i32
    %scan3A_4 = arith.constant 1 : i32
    scf.for %scan3A_6 = %scan3A_1 to %scan3A_3 step %scan3A_4  : i32 {
      %mul3A_7 = arith.constant 2 : i32
      %mul3A_8 = arith.muli %mul3A_7, %scan3A_6 : i32
      %mul3A_9 = arith.constant 32 : i32
      %mul3A_10 = arith.muli %mul3A_8, %mul3A_9 : i32
      %add3A_11 = arith.addi %add3A, %mul3A_10 : i32
      %mul3A_12 = arith.constant 2240 : i32
      %mul3A_13 = arith.muli %add3A_11, %mul3A_12 : i32
      %dma_start3A = tpu.memref_slice %arg2[%mul3A_13] : memref<2007040xf32, #tpu.memory_space<hbm>> -> memref<2240xf32, #tpu.memory_space<hbm>>
      %dma_start3A_14 = tpu.memref_slice %arg2[%mul3A_13] : memref<2007040xf32, #tpu.memory_space<hbm>> -> memref<2240xf32, #tpu.memory_space<hbm>>
      tpu.enqueue_dma source(%dma_start3A_14 : memref<2240xf32, #tpu.memory_space<hbm>>) target(%arg7 : memref<2240xf32, #tpu.memory_space<vmem>>) target_semaphore(%arg27 : memref<!tpu.dma_semaphore, #tpu.memory_space<semaphore_mem>>)
      %dma_start3A_15 = tpu.memref_slice %arg3[%mul3A_13] : memref<2007040xf32, #tpu.memory_space<hbm>> -> memref<2240xf32, #tpu.memory_space<hbm>>
      %dma_start3A_16 = tpu.memref_slice %arg3[%mul3A_13] : memref<2007040xf32, #tpu.memory_space<hbm>> -> memref<2240xf32, #tpu.memory_space<hbm>>
      tpu.enqueue_dma source(%dma_start3A_16 : memref<2240xf32, #tpu.memory_space<hbm>>) target(%arg9 : memref<2240xf32, #tpu.memory_space<vmem>>) target_semaphore(%arg27 : memref<!tpu.dma_semaphore, #tpu.memory_space<semaphore_mem>>)
      %dma_start3A_17 = tpu.memref_slice %arg4[%mul3A_13] : memref<2007040xf32, #tpu.memory_space<hbm>> -> memref<2240xf32, #tpu.memory_space<hbm>>
      %dma_start3A_18 = tpu.memref_slice %arg4[%mul3A_13] : memref<2007040xf32, #tpu.memory_space<hbm>> -> memref<2240xf32, #tpu.memory_space<hbm>>
      tpu.enqueue_dma source(%dma_start3A_18 : memref<2240xf32, #tpu.memory_space<hbm>>) target(%arg11 : memref<2240xf32, #tpu.memory_space<vmem>>) target_semaphore(%arg27 : memref<!tpu.dma_semaphore, #tpu.memory_space<semaphore_mem>>)
      %add3A_19 = arith.constant 1 : i32
      %add3A_20 = arith.addi %mul3A_8, %add3A_19 : i32
      %mul3A_21 = arith.constant 32 : i32
      %mul3A_22 = arith.muli %add3A_20, %mul3A_21 : i32
      %add3A_23 = arith.addi %add3A, %mul3A_22 : i32
      %mul3A_24 = arith.constant 2240 : i32
      %mul3A_25 = arith.muli %add3A_23, %mul3A_24 : i32
      %dma_start3A_26 = tpu.memref_slice %arg2[%mul3A_25] : memref<2007040xf32, #tpu.memory_space<hbm>> -> memref<2240xf32, #tpu.memory_space<hbm>>
      %dma_start3A_27 = tpu.memref_slice %arg2[%mul3A_25] : memref<2007040xf32, #tpu.memory_space<hbm>> -> memref<2240xf32, #tpu.memory_space<hbm>>
      tpu.enqueue_dma source(%dma_start3A_27 : memref<2240xf32, #tpu.memory_space<hbm>>) target(%arg8 : memref<2240xf32, #tpu.memory_space<vmem>>) target_semaphore(%arg28 : memref<!tpu.dma_semaphore, #tpu.memory_space<semaphore_mem>>)
      %dma_start3A_28 = tpu.memref_slice %arg3[%mul3A_25] : memref<2007040xf32, #tpu.memory_space<hbm>> -> memref<2240xf32, #tpu.memory_space<hbm>>
      %dma_start3A_29 = tpu.memref_slice %arg3[%mul3A_25] : memref<2007040xf32, #tpu.memory_space<hbm>> -> memref<2240xf32, #tpu.memory_space<hbm>>
      tpu.enqueue_dma source(%dma_start3A_29 : memref<2240xf32, #tpu.memory_space<hbm>>) target(%arg10 : memref<2240xf32, #tpu.memory_space<vmem>>) target_semaphore(%arg28 : memref<!tpu.dma_semaphore, #tpu.memory_space<semaphore_mem>>)
      %dma_start3A_30 = tpu.memref_slice %arg4[%mul3A_25] : memref<2007040xf32, #tpu.memory_space<hbm>> -> memref<2240xf32, #tpu.memory_space<hbm>>
      %dma_start3A_31 = tpu.memref_slice %arg4[%mul3A_25] : memref<2007040xf32, #tpu.memory_space<hbm>> -> memref<2240xf32, #tpu.memory_space<hbm>>
      tpu.enqueue_dma source(%dma_start3A_31 : memref<2240xf32, #tpu.memory_space<hbm>>) target(%arg12 : memref<2240xf32, #tpu.memory_space<vmem>>) target_semaphore(%arg28 : memref<!tpu.dma_semaphore, #tpu.memory_space<semaphore_mem>>)
      %dma_wait3A = tpu.memref_slice %arg2[%mul3A_13] : memref<2007040xf32, #tpu.memory_space<hbm>> -> memref<2240xf32, #tpu.memory_space<hbm>>
      %dma_wait3A_32 = tpu.memref_slice %arg2[%mul3A_13] : memref<2007040xf32, #tpu.memory_space<hbm>> -> memref<2240xf32, #tpu.memory_space<hbm>>
      tpu.wait_dma2 semaphore(%arg27 : memref<!tpu.dma_semaphore, #tpu.memory_space<semaphore_mem>>) src(%dma_wait3A_32 : memref<2240xf32, #tpu.memory_space<hbm>>) dst(%arg7 : memref<2240xf32, #tpu.memory_space<vmem>>)
      %dma_wait3A_33 = tpu.memref_slice %arg3[%mul3A_13] : memref<2007040xf32, #tpu.memory_space<hbm>> -> memref<2240xf32, #tpu.memory_space<hbm>>
      %dma_wait3A_34 = tpu.memref_slice %arg3[%mul3A_13] : memref<2007040xf32, #tpu.memory_space<hbm>> -> memref<2240xf32, #tpu.memory_space<hbm>>
      tpu.wait_dma2 semaphore(%arg27 : memref<!tpu.dma_semaphore, #tpu.memory_space<semaphore_mem>>) src(%dma_wait3A_34 : memref<2240xf32, #tpu.memory_space<hbm>>) dst(%arg9 : memref<2240xf32, #tpu.memory_space<vmem>>)
      %dma_wait3A_35 = tpu.memref_slice %arg4[%mul3A_13] : memref<2007040xf32, #tpu.memory_space<hbm>> -> memref<2240xf32, #tpu.memory_space<hbm>>
      %dma_wait3A_36 = tpu.memref_slice %arg4[%mul3A_13] : memref<2007040xf32, #tpu.memory_space<hbm>> -> memref<2240xf32, #tpu.memory_space<hbm>>
      tpu.wait_dma2 semaphore(%arg27 : memref<!tpu.dma_semaphore, #tpu.memory_space<semaphore_mem>>) src(%dma_wait3A_36 : memref<2240xf32, #tpu.memory_space<hbm>>) dst(%arg11 : memref<2240xf32, #tpu.memory_space<vmem>>)
      %scan3A_37 = arith.constant 0 : i32
      %scan3A_38 = arith.constant 0 : i32
      %scan3A_39 = arith.constant 140 : i32
      %scan3A_40 = arith.addi %scan3A_38, %scan3A_39 : i32
      %scan3A_41 = arith.constant 1 : i32
      scf.for %scan3A_97 = %scan3A_38 to %scan3A_40 step %scan3A_41  : i32 {
        %mul3A_98 = arith.constant 1 : i32
        %mul3A_99 = arith.muli %scan3A_97, %mul3A_98 : i32
        %add3A_100 = arith.constant 0 : i32
        %add3A_101 = arith.addi %mul3A_99, %add3A_100 : i32
        %mul3A_102 = arith.constant 16 : i32
        %mul3A_103 = arith.muli %add3A_101, %mul3A_102 : i32
        %get3A = arith.index_cast %mul3A_103 : i32 to index
        %get3A_104 = tpu.vector_load %arg7[%get3A] {strides = array<i32>} : memref<2240xf32, #tpu.memory_space<vmem>>, vector<16xf32>,
        %get3A_105 = vector.shape_cast %get3A_104 : vector<16xf32> to vector<16xf32>
        %get3A_106 = arith.index_cast %mul3A_103 : i32 to index
        %get3A_107 = tpu.vector_load %arg9[%get3A_106] {strides = array<i32>} : memref<2240xf32, #tpu.memory_space<vmem>>, vector<16xf32>,
        %get3A_108 = vector.shape_cast %get3A_107 : vector<16xf32> to vector<16xf32>
        %get3A_109 = arith.index_cast %mul3A_103 : i32 to index
        %get3A_110 = tpu.vector_load %arg11[%get3A_109] {strides = array<i32>} : memref<2240xf32, #tpu.memory_space<vmem>>, vector<16xf32>,
        %get3A_111 = vector.shape_cast %get3A_110 : vector<16xf32> to vector<16xf32>
        %abs3A = math.absf %get3A_105 : vector<16xf32>
        %abs3A_112 = math.absf %get3A_108 : vector<16xf32>
        %abs3A_113 = math.absf %get3A_111 : vector<16xf32>
        %lt3A = arith.constant 1.000000e+00 : f32
        %lt3A_114 = vector.broadcast %lt3A : f32 to vector<16xf32>
        %lt3A_115 = arith.cmpf olt, %abs3A, %lt3A_114 : vector<16xf32>
        %lt3A_116 = arith.constant 1.000000e+00 : f32
        %lt3A_117 = vector.broadcast %lt3A_116 : f32 to vector<16xf32>
        %lt3A_118 = arith.cmpf olt, %abs3A_112, %lt3A_117 : vector<16xf32>
        %and3A = arith.andi %lt3A_115, %lt3A_118 : vector<16xi1>
        %lt3A_119 = arith.constant 1.000000e+00 : f32
        %lt3A_120 = vector.broadcast %lt3A_119 : f32 to vector<16xf32>
        %lt3A_121 = arith.cmpf olt, %abs3A_113, %lt3A_120 : vector<16xf32>
        %and3A_122 = arith.andi %and3A, %lt3A_121 : vector<16xi1>
        %lt3A_123 = arith.constant 4.000000e+00 : f32
        %lt3A_124 = vector.broadcast %lt3A_123 : f32 to vector<16xf32>
        %lt3A_125 = arith.cmpf olt, %abs3A, %lt3A_124 : vector<16xf32>
        %lt3A_126 = arith.constant 4.000000e+00 : f32
        %lt3A_127 = vector.broadcast %lt3A_126 : f32 to vector<16xf32>
        %lt3A_128 = arith.cmpf olt, %abs3A_112, %lt3A_127 : vector<16xf32>
        %and3A_129 = arith.andi %lt3A_125, %lt3A_128 : vector<16xi1>
        %lt3A_130 = arith.constant 4.000000e+00 : f32
        %lt3A_131 = vector.broadcast %lt3A_130 : f32 to vector<16xf32>
        %lt3A_132 = arith.cmpf olt, %abs3A_113, %lt3A_131 : vector<16xf32>
        %and3A_133 = arith.andi %and3A_129, %lt3A_132 : vector<16xi1>
        %jit3A = arith.constant 1.000000e+00 : f32
        %jit3A_134 = arith.constant 2.500000e-01 : f32
        %broadcast_in_dim3A = vector.broadcast %jit3A : f32 to vector<16xf32>
        %broadcast_in_dim3A_135 = vector.broadcast %jit3A_134 : f32 to vector<16xf32>
        %select_n3A = arith.select %and3A_122, %broadcast_in_dim3A, %broadcast_in_dim3A_135 : vector<16xi1>, vector<16xf32>
        %jit3A_136 = arith.constant 1.270000e+02 : f32
        %jit3A_137 = arith.constant 2.550000e+02 : f32
        %broadcast_in_dim3A_138 = vector.broadcast %jit3A_136 : f32 to vector<16xf32>
        %broadcast_in_dim3A_139 = vector.broadcast %jit3A_137 : f32 to vector<16xf32>
        %select_n3A_140 = arith.select %and3A_122, %broadcast_in_dim3A_138, %broadcast_in_dim3A_139 : vector<16xi1>, vector<16xf32>
        %jit3A_141 = arith.constant 127 : i32
        %jit3A_142 = arith.constant 255 : i32
        %broadcast_in_dim3A_143 = vector.broadcast %jit3A_141 : i32 to vector<16xi32>
        %broadcast_in_dim3A_144 = vector.broadcast %jit3A_142 : i32 to vector<16xi32>
        %select_n3A_145 = arith.select %and3A_122, %broadcast_in_dim3A_143, %broadcast_in_dim3A_144 : vector<16xi1>, vector<16xi32>
        %jit3A_146 = arith.constant 128 : i32
        %jit3A_147 = arith.constant 256 : i32
        %broadcast_in_dim3A_148 = vector.broadcast %jit3A_146 : i32 to vector<16xi32>
        %broadcast_in_dim3A_149 = vector.broadcast %jit3A_147 : i32 to vector<16xi32>
        %select_n3A_150 = arith.select %and3A_122, %broadcast_in_dim3A_148, %broadcast_in_dim3A_149 : vector<16xi1>, vector<16xi32>
        %jit3A_151 = arith.constant 16384 : i32
        %jit3A_152 = arith.constant 65536 : i32
        %broadcast_in_dim3A_153 = vector.broadcast %jit3A_151 : i32 to vector<16xi32>
        %broadcast_in_dim3A_154 = vector.broadcast %jit3A_152 : i32 to vector<16xi32>
        %select_n3A_155 = arith.select %and3A_122, %broadcast_in_dim3A_153, %broadcast_in_dim3A_154 : vector<16xi1>, vector<16xi32>
        %jit3A_156 = arith.constant 0 : i32
        %jit3A_157 = arith.constant 2097152 : i32
        %broadcast_in_dim3A_158 = vector.broadcast %jit3A_156 : i32 to vector<16xi32>
        %broadcast_in_dim3A_159 = vector.broadcast %jit3A_157 : i32 to vector<16xi32>
        %select_n3A_160 = arith.select %and3A_122, %broadcast_in_dim3A_158, %broadcast_in_dim3A_159 : vector<16xi1>, vector<16xi32>
        %mul3A_161 = arith.mulf %get3A_105, %select_n3A : vector<16xf32>
        %add3A_162 = arith.constant 1.000000e+00 : f32
        %add3A_163 = vector.broadcast %add3A_162 : f32 to vector<16xf32>
        %add3A_164 = arith.addf %mul3A_161, %add3A_163 : vector<16xf32>
        %mul3A_165 = arith.constant 5.000000e-01 : f32
        %mul3A_166 = vector.broadcast %mul3A_165 : f32 to vector<16xf32>
        %mul3A_167 = arith.mulf %add3A_164, %mul3A_166 : vector<16xf32>
        %mul3A_168 = arith.mulf %mul3A_167, %select_n3A_140 : vector<16xf32>
        %max3A = arith.constant 0.000000e+00 : f32
        %max3A_169 = vector.broadcast %max3A : f32 to vector<16xf32>
        %max3A_170 = arith.maximumf %mul3A_168, %max3A_169 : vector<16xf32>
        %min3A = arith.minimumf %max3A_170, %select_n3A_140 : vector<16xf32>
        %convert_element_type3A = arith.fptosi %min3A : vector<16xf32> to vector<16xi32>
        %convert_element_type3A_171 = arith.sitofp %convert_element_type3A : vector<16xi32> to vector<16xf32>
        %sub3A = arith.subf %min3A, %convert_element_type3A_171 : vector<16xf32>
        %add3A_172 = arith.constant 1 : i32
        %add3A_173 = vector.broadcast %add3A_172 : i32 to vector<16xi32>
        %add3A_174 = arith.addi %convert_element_type3A, %add3A_173 : vector<16xi32>
        %min3A_175 = arith.minsi %add3A_174, %select_n3A_145 : vector<16xi32>
        %mul3A_176 = arith.mulf %get3A_108, %select_n3A : vector<16xf32>
        %add3A_177 = arith.constant 1.000000e+00 : f32
        %add3A_178 = vector.broadcast %add3A_177 : f32 to vector<16xf32>
        %add3A_179 = arith.addf %mul3A_176, %add3A_178 : vector<16xf32>
        %mul3A_180 = arith.constant 5.000000e-01 : f32
        %mul3A_181 = vector.broadcast %mul3A_180 : f32 to vector<16xf32>
        %mul3A_182 = arith.mulf %add3A_179, %mul3A_181 : vector<16xf32>
        %mul3A_183 = arith.mulf %mul3A_182, %select_n3A_140 : vector<16xf32>
        %max3A_184 = arith.constant 0.000000e+00 : f32
        %max3A_185 = vector.broadcast %max3A_184 : f32 to vector<16xf32>
        %max3A_186 = arith.maximumf %mul3A_183, %max3A_185 : vector<16xf32>
        %min3A_187 = arith.minimumf %max3A_186, %select_n3A_140 : vector<16xf32>
        %convert_element_type3A_188 = arith.fptosi %min3A_187 : vector<16xf32> to vector<16xi32>
        %convert_element_type3A_189 = arith.sitofp %convert_element_type3A_188 : vector<16xi32> to vector<16xf32>
        %sub3A_190 = arith.subf %min3A_187, %convert_element_type3A_189 : vector<16xf32>
        %add3A_191 = arith.constant 1 : i32
        %add3A_192 = vector.broadcast %add3A_191 : i32 to vector<16xi32>
        %add3A_193 = arith.addi %convert_element_type3A_188, %add3A_192 : vector<16xi32>
        %min3A_194 = arith.minsi %add3A_193, %select_n3A_145 : vector<16xi32>
        %mul3A_195 = arith.mulf %get3A_111, %select_n3A : vector<16xf32>
        %add3A_196 = arith.constant 1.000000e+00 : f32
        %add3A_197 = vector.broadcast %add3A_196 : f32 to vector<16xf32>
        %add3A_198 = arith.addf %mul3A_195, %add3A_197 : vector<16xf32>
        %mul3A_199 = arith.constant 5.000000e-01 : f32
        %mul3A_200 = vector.broadcast %mul3A_199 : f32 to vector<16xf32>
        %mul3A_201 = arith.mulf %add3A_198, %mul3A_200 : vector<16xf32>
        %mul3A_202 = arith.mulf %mul3A_201, %select_n3A_140 : vector<16xf32>
        %max3A_203 = arith.constant 0.000000e+00 : f32
        %max3A_204 = vector.broadcast %max3A_203 : f32 to vector<16xf32>
        %max3A_205 = arith.maximumf %mul3A_202, %max3A_204 : vector<16xf32>
        %min3A_206 = arith.minimumf %max3A_205, %select_n3A_140 : vector<16xf32>
        %convert_element_type3A_207 = arith.fptosi %min3A_206 : vector<16xf32> to vector<16xi32>
        %convert_element_type3A_208 = arith.sitofp %convert_element_type3A_207 : vector<16xi32> to vector<16xf32>
        %sub3A_209 = arith.subf %min3A_206, %convert_element_type3A_208 : vector<16xf32>
        %add3A_210 = arith.constant 1 : i32
        %add3A_211 = vector.broadcast %add3A_210 : i32 to vector<16xi32>
        %add3A_212 = arith.addi %convert_element_type3A_207, %add3A_211 : vector<16xi32>
        %min3A_213 = arith.minsi %add3A_212, %select_n3A_145 : vector<16xi32>
        %mul3A_214 = arith.muli %convert_element_type3A_207, %select_n3A_155 : vector<16xi32>
        %add3A_215 = arith.addi %select_n3A_160, %mul3A_214 : vector<16xi32>
        %mul3A_216 = arith.muli %min3A_213, %select_n3A_155 : vector<16xi32>
        %add3A_217 = arith.addi %select_n3A_160, %mul3A_216 : vector<16xi32>
        %mul3A_218 = arith.muli %convert_element_type3A_188, %select_n3A_150 : vector<16xi32>
        %add3A_219 = arith.addi %add3A_215, %mul3A_218 : vector<16xi32>
        %mul3A_220 = arith.muli %min3A_194, %select_n3A_150 : vector<16xi32>
        %add3A_221 = arith.addi %add3A_215, %mul3A_220 : vector<16xi32>
        %mul3A_222 = arith.muli %convert_element_type3A_188, %select_n3A_150 : vector<16xi32>
        %add3A_223 = arith.addi %add3A_217, %mul3A_222 : vector<16xi32>
        %mul3A_224 = arith.muli %min3A_194, %select_n3A_150 : vector<16xi32>
        %add3A_225 = arith.addi %add3A_217, %mul3A_224 : vector<16xi32>
        %broadcast_in_dim3A_226 = arith.constant -1 : i32
        %broadcast_in_dim3A_227 = vector.broadcast %broadcast_in_dim3A_226 : i32 to vector<16xi32>
        %add3A_228 = arith.addi %add3A_219, %convert_element_type3A : vector<16xi32>
        %select_n3A_229 = arith.select %and3A_133, %add3A_228, %broadcast_in_dim3A_227 : vector<16xi1>, vector<16xi32>
        %add3A_230 = arith.constant 0 : i32
        %add3A_231 = arith.addi %add3A_230, %mul3A_103 : i32
        %swap3A = arith.index_cast %add3A_231 : i32 to index
        %swap3A_232 = tpu.vector_load %arg13[%swap3A] {strides = array<i32>} : memref<17920xi32, #tpu.memory_space<vmem>>, vector<16xi32>,
        %swap3A_233 = vector.shape_cast %swap3A_232 : vector<16xi32> to vector<16xi32>
        %swap3A_234 = vector.shape_cast %select_n3A_229 : vector<16xi32> to vector<16xi32>
        tpu.vector_store %arg13[%swap3A], %swap3A_234 {strides = array<i32>} : memref<17920xi32, #tpu.memory_space<vmem>>, vector<16xi32>,
        %add3A_235 = arith.addi %add3A_219, %min3A_175 : vector<16xi32>
        %select_n3A_236 = arith.select %and3A_133, %add3A_235, %broadcast_in_dim3A_227 : vector<16xi1>, vector<16xi32>
        %add3A_237 = arith.constant 2240 : i32
        %add3A_238 = arith.addi %add3A_237, %mul3A_103 : i32
        %swap3A_239 = arith.index_cast %add3A_238 : i32 to index
        %swap3A_240 = tpu.vector_load %arg13[%swap3A_239] {strides = array<i32>} : memref<17920xi32, #tpu.memory_space<vmem>>, vector<16xi32>,
        %swap3A_241 = vector.shape_cast %swap3A_240 : vector<16xi32> to vector<16xi32>
        %swap3A_242 = vector.shape_cast %select_n3A_236 : vector<16xi32> to vector<16xi32>
        tpu.vector_store %arg13[%swap3A_239], %swap3A_242 {strides = array<i32>} : memref<17920xi32, #tpu.memory_space<vmem>>, vector<16xi32>,
        %add3A_243 = arith.addi %add3A_221, %convert_element_type3A : vector<16xi32>
        %select_n3A_244 = arith.select %and3A_133, %add3A_243, %broadcast_in_dim3A_227 : vector<16xi1>, vector<16xi32>
        %add3A_245 = arith.constant 4480 : i32
        %add3A_246 = arith.addi %add3A_245, %mul3A_103 : i32
        %swap3A_247 = arith.index_cast %add3A_246 : i32 to index
        %swap3A_248 = tpu.vector_load %arg13[%swap3A_247] {strides = array<i32>} : memref<17920xi32, #tpu.memory_space<vmem>>, vector<16xi32>,
        %swap3A_249 = vector.shape_cast %swap3A_248 : vector<16xi32> to vector<16xi32>
        %swap3A_250 = vector.shape_cast %select_n3A_244 : vector<16xi32> to vector<16xi32>
        tpu.vector_store %arg13[%swap3A_247], %swap3A_250 {strides = array<i32>} : memref<17920xi32, #tpu.memory_space<vmem>>, vector<16xi32>,
        %add3A_251 = arith.addi %add3A_221, %min3A_175 : vector<16xi32>
        %select_n3A_252 = arith.select %and3A_133, %add3A_251, %broadcast_in_dim3A_227 : vector<16xi1>, vector<16xi32>
        %add3A_253 = arith.constant 6720 : i32
        %add3A_254 = arith.addi %add3A_253, %mul3A_103 : i32
        %swap3A_255 = arith.index_cast %add3A_254 : i32 to index
        %swap3A_256 = tpu.vector_load %arg13[%swap3A_255] {strides = array<i32>} : memref<17920xi32, #tpu.memory_space<vmem>>, vector<16xi32>,
        %swap3A_257 = vector.shape_cast %swap3A_256 : vector<16xi32> to vector<16xi32>
        %swap3A_258 = vector.shape_cast %select_n3A_252 : vector<16xi32> to vector<16xi32>
        tpu.vector_store %arg13[%swap3A_255], %swap3A_258 {strides = array<i32>} : memref<17920xi32, #tpu.memory_space<vmem>>, vector<16xi32>,
        %add3A_259 = arith.addi %add3A_223, %convert_element_type3A : vector<16xi32>
        %select_n3A_260 = arith.select %and3A_133, %add3A_259, %broadcast_in_dim3A_227 : vector<16xi1>, vector<16xi32>
        %add3A_261 = arith.constant 8960 : i32
        %add3A_262 = arith.addi %add3A_261, %mul3A_103 : i32
        %swap3A_263 = arith.index_cast %add3A_262 : i32 to index
        %swap3A_264 = tpu.vector_load %arg13[%swap3A_263] {strides = array<i32>} : memref<17920xi32, #tpu.memory_space<vmem>>, vector<16xi32>,
        %swap3A_265 = vector.shape_cast %swap3A_264 : vector<16xi32> to vector<16xi32>
        %swap3A_266 = vector.shape_cast %select_n3A_260 : vector<16xi32> to vector<16xi32>
        tpu.vector_store %arg13[%swap3A_263], %swap3A_266 {strides = array<i32>} : memref<17920xi32, #tpu.memory_space<vmem>>, vector<16xi32>,
        %add3A_267 = arith.addi %add3A_223, %min3A_175 : vector<16xi32>
        %select_n3A_268 = arith.select %and3A_133, %add3A_267, %broadcast_in_dim3A_227 : vector<16xi1>, vector<16xi32>
        %add3A_269 = arith.constant 11200 : i32
        %add3A_270 = arith.addi %add3A_269, %mul3A_103 : i32
        %swap3A_271 = arith.index_cast %add3A_270 : i32 to index
        %swap3A_272 = tpu.vector_load %arg13[%swap3A_271] {strides = array<i32>} : memref<17920xi32, #tpu.memory_space<vmem>>, vector<16xi32>,
        %swap3A_273 = vector.shape_cast %swap3A_272 : vector<16xi32> to vector<16xi32>
        %swap3A_274 = vector.shape_cast %select_n3A_268 : vector<16xi32> to vector<16xi32>
        tpu.vector_store %arg13[%swap3A_271], %swap3A_274 {strides = array<i32>} : memref<17920xi32, #tpu.memory_space<vmem>>, vector<16xi32>,
        %add3A_275 = arith.addi %add3A_225, %convert_element_type3A : vector<16xi32>
        %select_n3A_276 = arith.select %and3A_133, %add3A_275, %broadcast_in_dim3A_227 : vector<16xi1>, vector<16xi32>
        %add3A_277 = arith.constant 13440 : i32
        %add3A_278 = arith.addi %add3A_277, %mul3A_103 : i32
        %swap3A_279 = arith.index_cast %add3A_278 : i32 to index
        %swap3A_280 = tpu.vector_load %arg13[%swap3A_279] {strides = array<i32>} : memref<17920xi32, #tpu.memory_space<vmem>>, vector<16xi32>,
        %swap3A_281 = vector.shape_cast %swap3A_280 : vector<16xi32> to vector<16xi32>
        %swap3A_282 = vector.shape_cast %select_n3A_276 : vector<16xi32> to vector<16xi32>
        tpu.vector_store %arg13[%swap3A_279], %swap3A_282 {strides = array<i32>} : memref<17920xi32, #tpu.memory_space<vmem>>, vector<16xi32>,
        %add3A_283 = arith.addi %add3A_225, %min3A_175 : vector<16xi32>
        %select_n3A_284 = arith.select %and3A_133, %add3A_283, %broadcast_in_dim3A_227 : vector<16xi1>, vector<16xi32>
        %add3A_285 = arith.constant 15680 : i32
        %add3A_286 = arith.addi %add3A_285, %mul3A_103 : i32
        %swap3A_287 = arith.index_cast %add3A_286 : i32 to index
        %swap3A_288 = tpu.vector_load %arg13[%swap3A_287] {strides = array<i32>} : memref<17920xi32, #tpu.memory_space<vmem>>, vector<16xi32>,
        %swap3A_289 = vector.shape_cast %swap3A_288 : vector<16xi32> to vector<16xi32>
        %swap3A_290 = vector.shape_cast %select_n3A_284 : vector<16xi32> to vector<16xi32>
        tpu.vector_store %arg13[%swap3A_287], %swap3A_290 {strides = array<i32>} : memref<17920xi32, #tpu.memory_space<vmem>>, vector<16xi32>,
        %swap3A_291 = arith.index_cast %mul3A_103 : i32 to index
        %swap3A_292 = tpu.vector_load %arg17[%swap3A_291] {strides = array<i32>} : memref<2240xf32, #tpu.memory_space<vmem>>, vector<16xf32>,
        %swap3A_293 = vector.shape_cast %swap3A_292 : vector<16xf32> to vector<16xf32>
        %swap3A_294 = vector.shape_cast %sub3A : vector<16xf32> to vector<16xf32>
        tpu.vector_store %arg17[%swap3A_291], %swap3A_294 {strides = array<i32>} : memref<2240xf32, #tpu.memory_space<vmem>>, vector<16xf32>,
        %swap3A_295 = arith.index_cast %mul3A_103 : i32 to index
        %swap3A_296 = tpu.vector_load %arg19[%swap3A_295] {strides = array<i32>} : memref<2240xf32, #tpu.memory_space<vmem>>, vector<16xf32>,
        %swap3A_297 = vector.shape_cast %swap3A_296 : vector<16xf32> to vector<16xf32>
        %swap3A_298 = vector.shape_cast %sub3A_190 : vector<16xf32> to vector<16xf32>
        tpu.vector_store %arg19[%swap3A_295], %swap3A_298 {strides = array<i32>} : memref<2240xf32, #tpu.memory_space<vmem>>, vector<16xf32>,
        %swap3A_299 = arith.index_cast %mul3A_103 : i32 to index
        %swap3A_300 = tpu.vector_load %arg21[%swap3A_299] {strides = array<i32>} : memref<2240xf32, #tpu.memory_space<vmem>>, vector<16xf32>,
        %swap3A_301 = vector.shape_cast %swap3A_300 : vector<16xf32> to vector<16xf32>
        %swap3A_302 = vector.shape_cast %sub3A_209 : vector<16xf32> to vector<16xf32>
        tpu.vector_store %arg21[%swap3A_299], %swap3A_302 {strides = array<i32>} : memref<2240xf32, #tpu.memory_space<vmem>>, vector<16xf32>,
        %jit3A_303 = arith.constant 0.000000e+00 : f32
        %jit3A_304 = arith.constant 1.000000e+00 : f32
        %broadcast_in_dim3A_305 = vector.broadcast %jit3A_303 : f32 to vector<16xf32>
        %broadcast_in_dim3A_306 = vector.broadcast %jit3A_304 : f32 to vector<16xf32>
        %select_n3A_307 = arith.select %and3A_133, %broadcast_in_dim3A_305, %broadcast_in_dim3A_306 : vector<16xi1>, vector<16xf32>
        %swap3A_308 = arith.index_cast %mul3A_103 : i32 to index
        %swap3A_309 = tpu.vector_load %arg23[%swap3A_308] {strides = array<i32>} : memref<2240xf32, #tpu.memory_space<vmem>>, vector<16xf32>,
        %swap3A_310 = vector.shape_cast %swap3A_309 : vector<16xf32> to vector<16xf32>
        %swap3A_311 = vector.shape_cast %select_n3A_307 : vector<16xf32> to vector<16xf32>
        tpu.vector_store %arg23[%swap3A_308], %swap3A_311 {strides = array<i32>} : memref<2240xf32, #tpu.memory_space<vmem>>, vector<16xf32>,
      }
      %scan3A_42 = arith.constant 140 : i32
      %dma_start3A_43 = arith.constant 0 : i32
      %dma_start3A_44 = tpu.memref_slice %arg5[%dma_start3A_43] : memref<18874368xf32, #tpu.memory_space<hbm>> -> memref<18874368xf32, #tpu.memory_space<hbm>>
      %dma_start3A_45 = arith.constant -1 : i32
      tpu.enqueue_indirect_dma source(%dma_start3A_44 : memref<18874368xf32, #tpu.memory_space<hbm>>) target(%arg15 : memref<17920xf32, #tpu.memory_space<vmem>>) offsets(%arg13 : memref<17920xi32, #tpu.memory_space<vmem>>) offset_filter(%dma_start3A_45) semaphore(%arg29 : memref<!tpu.dma_semaphore, #tpu.memory_space<semaphore_mem>>)
      %dma_wait3A_46 = tpu.memref_slice %arg2[%mul3A_25] : memref<2007040xf32, #tpu.memory_space<hbm>> -> memref<2240xf32, #tpu.memory_space<hbm>>
      %dma_wait3A_47 = tpu.memref_slice %arg2[%mul3A_25] : memref<2007040xf32, #tpu.memory_space<hbm>> -> memref<2240xf32, #tpu.memory_space<hbm>>
      tpu.wait_dma2 semaphore(%arg28 : memref<!tpu.dma_semaphore, #tpu.memory_space<semaphore_mem>>) src(%dma_wait3A_47 : memref<2240xf32, #tpu.memory_space<hbm>>) dst(%arg8 : memref<2240xf32, #tpu.memory_space<vmem>>)
      %dma_wait3A_48 = tpu.memref_slice %arg3[%mul3A_25] : memref<2007040xf32, #tpu.memory_space<hbm>> -> memref<2240xf32, #tpu.memory_space<hbm>>
      %dma_wait3A_49 = tpu.memref_slice %arg3[%mul3A_25] : memref<2007040xf32, #tpu.memory_space<hbm>> -> memref<2240xf32, #tpu.memory_space<hbm>>
      tpu.wait_dma2 semaphore(%arg28 : memref<!tpu.dma_semaphore, #tpu.memory_space<semaphore_mem>>) src(%dma_wait3A_49 : memref<2240xf32, #tpu.memory_space<hbm>>) dst(%arg10 : memref<2240xf32, #tpu.memory_space<vmem>>)
      %dma_wait3A_50 = tpu.memref_slice %arg4[%mul3A_25] : memref<2007040xf32, #tpu.memory_space<hbm>> -> memref<2240xf32, #tpu.memory_space<hbm>>
      %dma_wait3A_51 = tpu.memref_slice %arg4[%mul3A_25] : memref<2007040xf32, #tpu.memory_space<hbm>> -> memref<2240xf32, #tpu.memory_space<hbm>>
      tpu.wait_dma2 semaphore(%arg28 : memref<!tpu.dma_semaphore, #tpu.memory_space<semaphore_mem>>) src(%dma_wait3A_51 : memref<2240xf32, #tpu.memory_space<hbm>>) dst(%arg12 : memref<2240xf32, #tpu.memory_space<vmem>>)
      %scan3A_52 = arith.constant 0 : i32
      %scan3A_53 = arith.constant 0 : i32
      %scan3A_54 = arith.constant 140 : i32
      %scan3A_55 = arith.addi %scan3A_53, %scan3A_54 : i32
      %scan3A_56 = arith.constant 1 : i32
      scf.for %scan3A_97 = %scan3A_53 to %scan3A_55 step %scan3A_56  : i32 {
        %mul3A_98 = arith.constant 1 : i32
        %mul3A_99 = arith.muli %scan3A_97, %mul3A_98 : i32
        %add3A_100 = arith.constant 0 : i32
        %add3A_101 = arith.addi %mul3A_99, %add3A_100 : i32
        %mul3A_102 = arith.constant 16 : i32
        %mul3A_103 = arith.muli %add3A_101, %mul3A_102 : i32
        %get3A = arith.index_cast %mul3A_103 : i32 to index
        %get3A_104 = tpu.vector_load %arg8[%get3A] {strides = array<i32>} : memref<2240xf32, #tpu.memory_space<vmem>>, vector<16xf32>,
        %get3A_105 = vector.shape_cast %get3A_104 : vector<16xf32> to vector<16xf32>
        %get3A_106 = arith.index_cast %mul3A_103 : i32 to index
        %get3A_107 = tpu.vector_load %arg10[%get3A_106] {strides = array<i32>} : memref<2240xf32, #tpu.memory_space<vmem>>, vector<16xf32>,
        %get3A_108 = vector.shape_cast %get3A_107 : vector<16xf32> to vector<16xf32>
        %get3A_109 = arith.index_cast %mul3A_103 : i32 to index
        %get3A_110 = tpu.vector_load %arg12[%get3A_109] {strides = array<i32>} : memref<2240xf32, #tpu.memory_space<vmem>>, vector<16xf32>,
        %get3A_111 = vector.shape_cast %get3A_110 : vector<16xf32> to vector<16xf32>
        %abs3A = math.absf %get3A_105 : vector<16xf32>
        %abs3A_112 = math.absf %get3A_108 : vector<16xf32>
        %abs3A_113 = math.absf %get3A_111 : vector<16xf32>
        %lt3A = arith.constant 1.000000e+00 : f32
        %lt3A_114 = vector.broadcast %lt3A : f32 to vector<16xf32>
        %lt3A_115 = arith.cmpf olt, %abs3A, %lt3A_114 : vector<16xf32>
        %lt3A_116 = arith.constant 1.000000e+00 : f32
        %lt3A_117 = vector.broadcast %lt3A_116 : f32 to vector<16xf32>
        %lt3A_118 = arith.cmpf olt, %abs3A_112, %lt3A_117 : vector<16xf32>
        %and3A = arith.andi %lt3A_115, %lt3A_118 : vector<16xi1>
        %lt3A_119 = arith.constant 1.000000e+00 : f32
        %lt3A_120 = vector.broadcast %lt3A_119 : f32 to vector<16xf32>
        %lt3A_121 = arith.cmpf olt, %abs3A_113, %lt3A_120 : vector<16xf32>
        %and3A_122 = arith.andi %and3A, %lt3A_121 : vector<16xi1>
        %lt3A_123 = arith.constant 4.000000e+00 : f32
        %lt3A_124 = vector.broadcast %lt3A_123 : f32 to vector<16xf32>
        %lt3A_125 = arith.cmpf olt, %abs3A, %lt3A_124 : vector<16xf32>
        %lt3A_126 = arith.constant 4.000000e+00 : f32
        %lt3A_127 = vector.broadcast %lt3A_126 : f32 to vector<16xf32>
        %lt3A_128 = arith.cmpf olt, %abs3A_112, %lt3A_127 : vector<16xf32>
        %and3A_129 = arith.andi %lt3A_125, %lt3A_128 : vector<16xi1>
        %lt3A_130 = arith.constant 4.000000e+00 : f32
        %lt3A_131 = vector.broadcast %lt3A_130 : f32 to vector<16xf32>
        %lt3A_132 = arith.cmpf olt, %abs3A_113, %lt3A_131 : vector<16xf32>
        %and3A_133 = arith.andi %and3A_129, %lt3A_132 : vector<16xi1>
        %jit3A = arith.constant 1.000000e+00 : f32
        %jit3A_134 = arith.constant 2.500000e-01 : f32
        %broadcast_in_dim3A = vector.broadcast %jit3A : f32 to vector<16xf32>
        %broadcast_in_dim3A_135 = vector.broadcast %jit3A_134 : f32 to vector<16xf32>
        %select_n3A = arith.select %and3A_122, %broadcast_in_dim3A, %broadcast_in_dim3A_135 : vector<16xi1>, vector<16xf32>
        %jit3A_136 = arith.constant 1.270000e+02 : f32
        %jit3A_137 = arith.constant 2.550000e+02 : f32
        %broadcast_in_dim3A_138 = vector.broadcast %jit3A_136 : f32 to vector<16xf32>
        %broadcast_in_dim3A_139 = vector.broadcast %jit3A_137 : f32 to vector<16xf32>
        %select_n3A_140 = arith.select %and3A_122, %broadcast_in_dim3A_138, %broadcast_in_dim3A_139 : vector<16xi1>, vector<16xf32>
        %jit3A_141 = arith.constant 127 : i32
        %jit3A_142 = arith.constant 255 : i32
        %broadcast_in_dim3A_143 = vector.broadcast %jit3A_141 : i32 to vector<16xi32>
        %broadcast_in_dim3A_144 = vector.broadcast %jit3A_142 : i32 to vector<16xi32>
        %select_n3A_145 = arith.select %and3A_122, %broadcast_in_dim3A_143, %broadcast_in_dim3A_144 : vector<16xi1>, vector<16xi32>
        %jit3A_146 = arith.constant 128 : i32
        %jit3A_147 = arith.constant 256 : i32
        %broadcast_in_dim3A_148 = vector.broadcast %jit3A_146 : i32 to vector<16xi32>
        %broadcast_in_dim3A_149 = vector.broadcast %jit3A_147 : i32 to vector<16xi32>
        %select_n3A_150 = arith.select %and3A_122, %broadcast_in_dim3A_148, %broadcast_in_dim3A_149 : vector<16xi1>, vector<16xi32>
        %jit3A_151 = arith.constant 16384 : i32
        %jit3A_152 = arith.constant 65536 : i32
        %broadcast_in_dim3A_153 = vector.broadcast %jit3A_151 : i32 to vector<16xi32>
        %broadcast_in_dim3A_154 = vector.broadcast %jit3A_152 : i32 to vector<16xi32>
        %select_n3A_155 = arith.select %and3A_122, %broadcast_in_dim3A_153, %broadcast_in_dim3A_154 : vector<16xi1>, vector<16xi32>
        %jit3A_156 = arith.constant 0 : i32
        %jit3A_157 = arith.constant 2097152 : i32
        %broadcast_in_dim3A_158 = vector.broadcast %jit3A_156 : i32 to vector<16xi32>
        %broadcast_in_dim3A_159 = vector.broadcast %jit3A_157 : i32 to vector<16xi32>
        %select_n3A_160 = arith.select %and3A_122, %broadcast_in_dim3A_158, %broadcast_in_dim3A_159 : vector<16xi1>, vector<16xi32>
        %mul3A_161 = arith.mulf %get3A_105, %select_n3A : vector<16xf32>
        %add3A_162 = arith.constant 1.000000e+00 : f32
        %add3A_163 = vector.broadcast %add3A_162 : f32 to vector<16xf32>
        %add3A_164 = arith.addf %mul3A_161, %add3A_163 : vector<16xf32>
        %mul3A_165 = arith.constant 5.000000e-01 : f32
        %mul3A_166 = vector.broadcast %mul3A_165 : f32 to vector<16xf32>
        %mul3A_167 = arith.mulf %add3A_164, %mul3A_166 : vector<16xf32>
        %mul3A_168 = arith.mulf %mul3A_167, %select_n3A_140 : vector<16xf32>
        %max3A = arith.constant 0.000000e+00 : f32
        %max3A_169 = vector.broadcast %max3A : f32 to vector<16xf32>
        %max3A_170 = arith.maximumf %mul3A_168, %max3A_169 : vector<16xf32>
        %min3A = arith.minimumf %max3A_170, %select_n3A_140 : vector<16xf32>
        %convert_element_type3A = arith.fptosi %min3A : vector<16xf32> to vector<16xi32>
        %convert_element_type3A_171 = arith.sitofp %convert_element_type3A : vector<16xi32> to vector<16xf32>
        %sub3A = arith.subf %min3A, %convert_element_type3A_171 : vector<16xf32>
        %add3A_172 = arith.constant 1 : i32
        %add3A_173 = vector.broadcast %add3A_172 : i32 to vector<16xi32>
        %add3A_174 = arith.addi %convert_element_type3A, %add3A_173 : vector<16xi32>
        %min3A_175 = arith.minsi %add3A_174, %select_n3A_145 : vector<16xi32>
        %mul3A_176 = arith.mulf %get3A_108, %select_n3A : vector<16xf32>
        %add3A_177 = arith.constant 1.000000e+00 : f32
        %add3A_178 = vector.broadcast %add3A_177 : f32 to vector<16xf32>
        %add3A_179 = arith.addf %mul3A_176, %add3A_178 : vector<16xf32>
        %mul3A_180 = arith.constant 5.000000e-01 : f32
        %mul3A_181 = vector.broadcast %mul3A_180 : f32 to vector<16xf32>
        %mul3A_182 = arith.mulf %add3A_179, %mul3A_181 : vector<16xf32>
        %mul3A_183 = arith.mulf %mul3A_182, %select_n3A_140 : vector<16xf32>
        %max3A_184 = arith.constant 0.000000e+00 : f32
        %max3A_185 = vector.broadcast %max3A_184 : f32 to vector<16xf32>
        %max3A_186 = arith.maximumf %mul3A_183, %max3A_185 : vector<16xf32>
        %min3A_187 = arith.minimumf %max3A_186, %select_n3A_140 : vector<16xf32>
        %convert_element_type3A_188 = arith.fptosi %min3A_187 : vector<16xf32> to vector<16xi32>
        %convert_element_type3A_189 = arith.sitofp %convert_element_type3A_188 : vector<16xi32> to vector<16xf32>
        %sub3A_190 = arith.subf %min3A_187, %convert_element_type3A_189 : vector<16xf32>
        %add3A_191 = arith.constant 1 : i32
        %add3A_192 = vector.broadcast %add3A_191 : i32 to vector<16xi32>
        %add3A_193 = arith.addi %convert_element_type3A_188, %add3A_192 : vector<16xi32>
        %min3A_194 = arith.minsi %add3A_193, %select_n3A_145 : vector<16xi32>
        %mul3A_195 = arith.mulf %get3A_111, %select_n3A : vector<16xf32>
        %add3A_196 = arith.constant 1.000000e+00 : f32
        %add3A_197 = vector.broadcast %add3A_196 : f32 to vector<16xf32>
        %add3A_198 = arith.addf %mul3A_195, %add3A_197 : vector<16xf32>
        %mul3A_199 = arith.constant 5.000000e-01 : f32
        %mul3A_200 = vector.broadcast %mul3A_199 : f32 to vector<16xf32>
        %mul3A_201 = arith.mulf %add3A_198, %mul3A_200 : vector<16xf32>
        %mul3A_202 = arith.mulf %mul3A_201, %select_n3A_140 : vector<16xf32>
        %max3A_203 = arith.constant 0.000000e+00 : f32
        %max3A_204 = vector.broadcast %max3A_203 : f32 to vector<16xf32>
        %max3A_205 = arith.maximumf %mul3A_202, %max3A_204 : vector<16xf32>
        %min3A_206 = arith.minimumf %max3A_205, %select_n3A_140 : vector<16xf32>
        %convert_element_type3A_207 = arith.fptosi %min3A_206 : vector<16xf32> to vector<16xi32>
        %convert_element_type3A_208 = arith.sitofp %convert_element_type3A_207 : vector<16xi32> to vector<16xf32>
        %sub3A_209 = arith.subf %min3A_206, %convert_element_type3A_208 : vector<16xf32>
        %add3A_210 = arith.constant 1 : i32
        %add3A_211 = vector.broadcast %add3A_210 : i32 to vector<16xi32>
        %add3A_212 = arith.addi %convert_element_type3A_207, %add3A_211 : vector<16xi32>
        %min3A_213 = arith.minsi %add3A_212, %select_n3A_145 : vector<16xi32>
        %mul3A_214 = arith.muli %convert_element_type3A_207, %select_n3A_155 : vector<16xi32>
        %add3A_215 = arith.addi %select_n3A_160, %mul3A_214 : vector<16xi32>
        %mul3A_216 = arith.muli %min3A_213, %select_n3A_155 : vector<16xi32>
        %add3A_217 = arith.addi %select_n3A_160, %mul3A_216 : vector<16xi32>
        %mul3A_218 = arith.muli %convert_element_type3A_188, %select_n3A_150 : vector<16xi32>
        %add3A_219 = arith.addi %add3A_215, %mul3A_218 : vector<16xi32>
        %mul3A_220 = arith.muli %min3A_194, %select_n3A_150 : vector<16xi32>
        %add3A_221 = arith.addi %add3A_215, %mul3A_220 : vector<16xi32>
        %mul3A_222 = arith.muli %convert_element_type3A_188, %select_n3A_150 : vector<16xi32>
        %add3A_223 = arith.addi %add3A_217, %mul3A_222 : vector<16xi32>
        %mul3A_224 = arith.muli %min3A_194, %select_n3A_150 : vector<16xi32>
        %add3A_225 = arith.addi %add3A_217, %mul3A_224 : vector<16xi32>
        %broadcast_in_dim3A_226 = arith.constant -1 : i32
        %broadcast_in_dim3A_227 = vector.broadcast %broadcast_in_dim3A_226 : i32 to vector<16xi32>
        %add3A_228 = arith.addi %add3A_219, %convert_element_type3A : vector<16xi32>
        %select_n3A_229 = arith.select %and3A_133, %add3A_228, %broadcast_in_dim3A_227 : vector<16xi1>, vector<16xi32>
        %add3A_230 = arith.constant 0 : i32
        %add3A_231 = arith.addi %add3A_230, %mul3A_103 : i32
        %swap3A = arith.index_cast %add3A_231 : i32 to index
        %swap3A_232 = tpu.vector_load %arg14[%swap3A] {strides = array<i32>} : memref<17920xi32, #tpu.memory_space<vmem>>, vector<16xi32>,
        %swap3A_233 = vector.shape_cast %swap3A_232 : vector<16xi32> to vector<16xi32>
        %swap3A_234 = vector.shape_cast %select_n3A_229 : vector<16xi32> to vector<16xi32>
        tpu.vector_store %arg14[%swap3A], %swap3A_234 {strides = array<i32>} : memref<17920xi32, #tpu.memory_space<vmem>>, vector<16xi32>,
        %add3A_235 = arith.addi %add3A_219, %min3A_175 : vector<16xi32>
        %select_n3A_236 = arith.select %and3A_133, %add3A_235, %broadcast_in_dim3A_227 : vector<16xi1>, vector<16xi32>
        %add3A_237 = arith.constant 2240 : i32
        %add3A_238 = arith.addi %add3A_237, %mul3A_103 : i32
        %swap3A_239 = arith.index_cast %add3A_238 : i32 to index
        %swap3A_240 = tpu.vector_load %arg14[%swap3A_239] {strides = array<i32>} : memref<17920xi32, #tpu.memory_space<vmem>>, vector<16xi32>,
        %swap3A_241 = vector.shape_cast %swap3A_240 : vector<16xi32> to vector<16xi32>
        %swap3A_242 = vector.shape_cast %select_n3A_236 : vector<16xi32> to vector<16xi32>
        tpu.vector_store %arg14[%swap3A_239], %swap3A_242 {strides = array<i32>} : memref<17920xi32, #tpu.memory_space<vmem>>, vector<16xi32>,
        %add3A_243 = arith.addi %add3A_221, %convert_element_type3A : vector<16xi32>
        %select_n3A_244 = arith.select %and3A_133, %add3A_243, %broadcast_in_dim3A_227 : vector<16xi1>, vector<16xi32>
        %add3A_245 = arith.constant 4480 : i32
        %add3A_246 = arith.addi %add3A_245, %mul3A_103 : i32
        %swap3A_247 = arith.index_cast %add3A_246 : i32 to index
        %swap3A_248 = tpu.vector_load %arg14[%swap3A_247] {strides = array<i32>} : memref<17920xi32, #tpu.memory_space<vmem>>, vector<16xi32>,
        %swap3A_249 = vector.shape_cast %swap3A_248 : vector<16xi32> to vector<16xi32>
        %swap3A_250 = vector.shape_cast %select_n3A_244 : vector<16xi32> to vector<16xi32>
        tpu.vector_store %arg14[%swap3A_247], %swap3A_250 {strides = array<i32>} : memref<17920xi32, #tpu.memory_space<vmem>>, vector<16xi32>,
        %add3A_251 = arith.addi %add3A_221, %min3A_175 : vector<16xi32>
        %select_n3A_252 = arith.select %and3A_133, %add3A_251, %broadcast_in_dim3A_227 : vector<16xi1>, vector<16xi32>
        %add3A_253 = arith.constant 6720 : i32
        %add3A_254 = arith.addi %add3A_253, %mul3A_103 : i32
        %swap3A_255 = arith.index_cast %add3A_254 : i32 to index
        %swap3A_256 = tpu.vector_load %arg14[%swap3A_255] {strides = array<i32>} : memref<17920xi32, #tpu.memory_space<vmem>>, vector<16xi32>,
        %swap3A_257 = vector.shape_cast %swap3A_256 : vector<16xi32> to vector<16xi32>
        %swap3A_258 = vector.shape_cast %select_n3A_252 : vector<16xi32> to vector<16xi32>
        tpu.vector_store %arg14[%swap3A_255], %swap3A_258 {strides = array<i32>} : memref<17920xi32, #tpu.memory_space<vmem>>, vector<16xi32>,
        %add3A_259 = arith.addi %add3A_223, %convert_element_type3A : vector<16xi32>
        %select_n3A_260 = arith.select %and3A_133, %add3A_259, %broadcast_in_dim3A_227 : vector<16xi1>, vector<16xi32>
        %add3A_261 = arith.constant 8960 : i32
        %add3A_262 = arith.addi %add3A_261, %mul3A_103 : i32
        %swap3A_263 = arith.index_cast %add3A_262 : i32 to index
        %swap3A_264 = tpu.vector_load %arg14[%swap3A_263] {strides = array<i32>} : memref<17920xi32, #tpu.memory_space<vmem>>, vector<16xi32>,
        %swap3A_265 = vector.shape_cast %swap3A_264 : vector<16xi32> to vector<16xi32>
        %swap3A_266 = vector.shape_cast %select_n3A_260 : vector<16xi32> to vector<16xi32>
        tpu.vector_store %arg14[%swap3A_263], %swap3A_266 {strides = array<i32>} : memref<17920xi32, #tpu.memory_space<vmem>>, vector<16xi32>,
        %add3A_267 = arith.addi %add3A_223, %min3A_175 : vector<16xi32>
        %select_n3A_268 = arith.select %and3A_133, %add3A_267, %broadcast_in_dim3A_227 : vector<16xi1>, vector<16xi32>
        %add3A_269 = arith.constant 11200 : i32
        %add3A_270 = arith.addi %add3A_269, %mul3A_103 : i32
        %swap3A_271 = arith.index_cast %add3A_270 : i32 to index
        %swap3A_272 = tpu.vector_load %arg14[%swap3A_271] {strides = array<i32>} : memref<17920xi32, #tpu.memory_space<vmem>>, vector<16xi32>,
        %swap3A_273 = vector.shape_cast %swap3A_272 : vector<16xi32> to vector<16xi32>
        %swap3A_274 = vector.shape_cast %select_n3A_268 : vector<16xi32> to vector<16xi32>
        tpu.vector_store %arg14[%swap3A_271], %swap3A_274 {strides = array<i32>} : memref<17920xi32, #tpu.memory_space<vmem>>, vector<16xi32>,
        %add3A_275 = arith.addi %add3A_225, %convert_element_type3A : vector<16xi32>
        %select_n3A_276 = arith.select %and3A_133, %add3A_275, %broadcast_in_dim3A_227 : vector<16xi1>, vector<16xi32>
        %add3A_277 = arith.constant 13440 : i32
        %add3A_278 = arith.addi %add3A_277, %mul3A_103 : i32
        %swap3A_279 = arith.index_cast %add3A_278 : i32 to index
        %swap3A_280 = tpu.vector_load %arg14[%swap3A_279] {strides = array<i32>} : memref<17920xi32, #tpu.memory_space<vmem>>, vector<16xi32>,
        %swap3A_281 = vector.shape_cast %swap3A_280 : vector<16xi32> to vector<16xi32>
        %swap3A_282 = vector.shape_cast %select_n3A_276 : vector<16xi32> to vector<16xi32>
        tpu.vector_store %arg14[%swap3A_279], %swap3A_282 {strides = array<i32>} : memref<17920xi32, #tpu.memory_space<vmem>>, vector<16xi32>,
        %add3A_283 = arith.addi %add3A_225, %min3A_175 : vector<16xi32>
        %select_n3A_284 = arith.select %and3A_133, %add3A_283, %broadcast_in_dim3A_227 : vector<16xi1>, vector<16xi32>
        %add3A_285 = arith.constant 15680 : i32
        %add3A_286 = arith.addi %add3A_285, %mul3A_103 : i32
        %swap3A_287 = arith.index_cast %add3A_286 : i32 to index
        %swap3A_288 = tpu.vector_load %arg14[%swap3A_287] {strides = array<i32>} : memref<17920xi32, #tpu.memory_space<vmem>>, vector<16xi32>,
        %swap3A_289 = vector.shape_cast %swap3A_288 : vector<16xi32> to vector<16xi32>
        %swap3A_290 = vector.shape_cast %select_n3A_284 : vector<16xi32> to vector<16xi32>
        tpu.vector_store %arg14[%swap3A_287], %swap3A_290 {strides = array<i32>} : memref<17920xi32, #tpu.memory_space<vmem>>, vector<16xi32>,
        %swap3A_291 = arith.index_cast %mul3A_103 : i32 to index
        %swap3A_292 = tpu.vector_load %arg18[%swap3A_291] {strides = array<i32>} : memref<2240xf32, #tpu.memory_space<vmem>>, vector<16xf32>,
        %swap3A_293 = vector.shape_cast %swap3A_292 : vector<16xf32> to vector<16xf32>
        %swap3A_294 = vector.shape_cast %sub3A : vector<16xf32> to vector<16xf32>
        tpu.vector_store %arg18[%swap3A_291], %swap3A_294 {strides = array<i32>} : memref<2240xf32, #tpu.memory_space<vmem>>, vector<16xf32>,
        %swap3A_295 = arith.index_cast %mul3A_103 : i32 to index
        %swap3A_296 = tpu.vector_load %arg20[%swap3A_295] {strides = array<i32>} : memref<2240xf32, #tpu.memory_space<vmem>>, vector<16xf32>,
        %swap3A_297 = vector.shape_cast %swap3A_296 : vector<16xf32> to vector<16xf32>
        %swap3A_298 = vector.shape_cast %sub3A_190 : vector<16xf32> to vector<16xf32>
        tpu.vector_store %arg20[%swap3A_295], %swap3A_298 {strides = array<i32>} : memref<2240xf32, #tpu.memory_space<vmem>>, vector<16xf32>,
        %swap3A_299 = arith.index_cast %mul3A_103 : i32 to index
        %swap3A_300 = tpu.vector_load %arg22[%swap3A_299] {strides = array<i32>} : memref<2240xf32, #tpu.memory_space<vmem>>, vector<16xf32>,
        %swap3A_301 = vector.shape_cast %swap3A_300 : vector<16xf32> to vector<16xf32>
        %swap3A_302 = vector.shape_cast %sub3A_209 : vector<16xf32> to vector<16xf32>
        tpu.vector_store %arg22[%swap3A_299], %swap3A_302 {strides = array<i32>} : memref<2240xf32, #tpu.memory_space<vmem>>, vector<16xf32>,
        %jit3A_303 = arith.constant 0.000000e+00 : f32
        %jit3A_304 = arith.constant 1.000000e+00 : f32
        %broadcast_in_dim3A_305 = vector.broadcast %jit3A_303 : f32 to vector<16xf32>
        %broadcast_in_dim3A_306 = vector.broadcast %jit3A_304 : f32 to vector<16xf32>
        %select_n3A_307 = arith.select %and3A_133, %broadcast_in_dim3A_305, %broadcast_in_dim3A_306 : vector<16xi1>, vector<16xf32>
        %swap3A_308 = arith.index_cast %mul3A_103 : i32 to index
        %swap3A_309 = tpu.vector_load %arg24[%swap3A_308] {strides = array<i32>} : memref<2240xf32, #tpu.memory_space<vmem>>, vector<16xf32>,
        %swap3A_310 = vector.shape_cast %swap3A_309 : vector<16xf32> to vector<16xf32>
        %swap3A_311 = vector.shape_cast %select_n3A_307 : vector<16xf32> to vector<16xf32>
        tpu.vector_store %arg24[%swap3A_308], %swap3A_311 {strides = array<i32>} : memref<2240xf32, #tpu.memory_space<vmem>>, vector<16xf32>,
      }
      %scan3A_57 = arith.constant 140 : i32
      %dma_start3A_58 = arith.constant 0 : i32
      %dma_start3A_59 = tpu.memref_slice %arg5[%dma_start3A_58] : memref<18874368xf32, #tpu.memory_space<hbm>> -> memref<18874368xf32, #tpu.memory_space<hbm>>
      %dma_start3A_60 = arith.constant -1 : i32
      tpu.enqueue_indirect_dma source(%dma_start3A_59 : memref<18874368xf32, #tpu.memory_space<hbm>>) target(%arg16 : memref<17920xf32, #tpu.memory_space<vmem>>) offsets(%arg14 : memref<17920xi32, #tpu.memory_space<vmem>>) offset_filter(%dma_start3A_60) semaphore(%arg30 : memref<!tpu.dma_semaphore, #tpu.memory_space<semaphore_mem>>)
      %dma_wait3A_61 = arith.constant 0 : i32
      %dma_wait3A_62 = tpu.memref_slice %arg5[%dma_wait3A_61] : memref<18874368xf32, #tpu.memory_space<hbm>> -> memref<18874368xf32, #tpu.memory_space<hbm>>
      tpu.wait_indirect_dma semaphore(%arg29 : memref<!tpu.dma_semaphore, #tpu.memory_space<semaphore_mem>>) src(%dma_wait3A_62 : memref<18874368xf32, #tpu.memory_space<hbm>>) dst(%arg15 : memref<17920xf32, #tpu.memory_space<vmem>>)
      %scan3A_63 = arith.constant 0 : i32
      %scan3A_64 = arith.constant 0 : i32
      %scan3A_65 = arith.constant 140 : i32
      %scan3A_66 = arith.addi %scan3A_64, %scan3A_65 : i32
      %scan3A_67 = arith.constant 1 : i32
      scf.for %scan3A_97 = %scan3A_64 to %scan3A_66 step %scan3A_67  : i32 {
        %mul3A_98 = arith.constant 1 : i32
        %mul3A_99 = arith.muli %scan3A_97, %mul3A_98 : i32
        %add3A_100 = arith.constant 0 : i32
        %add3A_101 = arith.addi %mul3A_99, %add3A_100 : i32
        %mul3A_102 = arith.constant 16 : i32
        %mul3A_103 = arith.muli %add3A_101, %mul3A_102 : i32
        %add3A_104 = arith.constant 0 : i32
        %add3A_105 = arith.addi %add3A_104, %mul3A_103 : i32
        %get3A = arith.index_cast %add3A_105 : i32 to index
        %get3A_106 = tpu.vector_load %arg15[%get3A] {strides = array<i32>} : memref<17920xf32, #tpu.memory_space<vmem>>, vector<16xf32>,
        %get3A_107 = vector.shape_cast %get3A_106 : vector<16xf32> to vector<16xf32>
        %add3A_108 = arith.constant 2240 : i32
        %add3A_109 = arith.addi %add3A_108, %mul3A_103 : i32
        %get3A_110 = arith.index_cast %add3A_109 : i32 to index
        %get3A_111 = tpu.vector_load %arg15[%get3A_110] {strides = array<i32>} : memref<17920xf32, #tpu.memory_space<vmem>>, vector<16xf32>,
        %get3A_112 = vector.shape_cast %get3A_111 : vector<16xf32> to vector<16xf32>
        %add3A_113 = arith.constant 4480 : i32
        %add3A_114 = arith.addi %add3A_113, %mul3A_103 : i32
        %get3A_115 = arith.index_cast %add3A_114 : i32 to index
        %get3A_116 = tpu.vector_load %arg15[%get3A_115] {strides = array<i32>} : memref<17920xf32, #tpu.memory_space<vmem>>, vector<16xf32>,
        %get3A_117 = vector.shape_cast %get3A_116 : vector<16xf32> to vector<16xf32>
        %add3A_118 = arith.constant 6720 : i32
        %add3A_119 = arith.addi %add3A_118, %mul3A_103 : i32
        %get3A_120 = arith.index_cast %add3A_119 : i32 to index
        %get3A_121 = tpu.vector_load %arg15[%get3A_120] {strides = array<i32>} : memref<17920xf32, #tpu.memory_space<vmem>>, vector<16xf32>,
        %get3A_122 = vector.shape_cast %get3A_121 : vector<16xf32> to vector<16xf32>
        %add3A_123 = arith.constant 8960 : i32
        %add3A_124 = arith.addi %add3A_123, %mul3A_103 : i32
        %get3A_125 = arith.index_cast %add3A_124 : i32 to index
        %get3A_126 = tpu.vector_load %arg15[%get3A_125] {strides = array<i32>} : memref<17920xf32, #tpu.memory_space<vmem>>, vector<16xf32>,
        %get3A_127 = vector.shape_cast %get3A_126 : vector<16xf32> to vector<16xf32>
        %add3A_128 = arith.constant 11200 : i32
        %add3A_129 = arith.addi %add3A_128, %mul3A_103 : i32
        %get3A_130 = arith.index_cast %add3A_129 : i32 to index
        %get3A_131 = tpu.vector_load %arg15[%get3A_130] {strides = array<i32>} : memref<17920xf32, #tpu.memory_space<vmem>>, vector<16xf32>,
        %get3A_132 = vector.shape_cast %get3A_131 : vector<16xf32> to vector<16xf32>
        %add3A_133 = arith.constant 13440 : i32
        %add3A_134 = arith.addi %add3A_133, %mul3A_103 : i32
        %get3A_135 = arith.index_cast %add3A_134 : i32 to index
        %get3A_136 = tpu.vector_load %arg15[%get3A_135] {strides = array<i32>} : memref<17920xf32, #tpu.memory_space<vmem>>, vector<16xf32>,
        %get3A_137 = vector.shape_cast %get3A_136 : vector<16xf32> to vector<16xf32>
        %add3A_138 = arith.constant 15680 : i32
        %add3A_139 = arith.addi %add3A_138, %mul3A_103 : i32
        %get3A_140 = arith.index_cast %add3A_139 : i32 to index
        %get3A_141 = tpu.vector_load %arg15[%get3A_140] {strides = array<i32>} : memref<17920xf32, #tpu.memory_space<vmem>>, vector<16xf32>,
        %get3A_142 = vector.shape_cast %get3A_141 : vector<16xf32> to vector<16xf32>
        %get3A_143 = arith.index_cast %mul3A_103 : i32 to index
        %get3A_144 = tpu.vector_load %arg17[%get3A_143] {strides = array<i32>} : memref<2240xf32, #tpu.memory_space<vmem>>, vector<16xf32>,
        %get3A_145 = vector.shape_cast %get3A_144 : vector<16xf32> to vector<16xf32>
        %get3A_146 = arith.index_cast %mul3A_103 : i32 to index
        %get3A_147 = tpu.vector_load %arg19[%get3A_146] {strides = array<i32>} : memref<2240xf32, #tpu.memory_space<vmem>>, vector<16xf32>,
        %get3A_148 = vector.shape_cast %get3A_147 : vector<16xf32> to vector<16xf32>
        %get3A_149 = arith.index_cast %mul3A_103 : i32 to index
        %get3A_150 = tpu.vector_load %arg21[%get3A_149] {strides = array<i32>} : memref<2240xf32, #tpu.memory_space<vmem>>, vector<16xf32>,
        %get3A_151 = vector.shape_cast %get3A_150 : vector<16xf32> to vector<16xf32>
        %get3A_152 = arith.index_cast %mul3A_103 : i32 to index
        %get3A_153 = tpu.vector_load %arg23[%get3A_152] {strides = array<i32>} : memref<2240xf32, #tpu.memory_space<vmem>>, vector<16xf32>,
        %get3A_154 = vector.shape_cast %get3A_153 : vector<16xf32> to vector<16xf32>
        %sub3A = arith.constant 1.000000e+00 : f32
        %sub3A_155 = vector.broadcast %sub3A : f32 to vector<16xf32>
        %sub3A_156 = arith.subf %sub3A_155, %get3A_145 : vector<16xf32>
        %mul3A_157 = arith.mulf %get3A_107, %sub3A_156 : vector<16xf32>
        %mul3A_158 = arith.mulf %get3A_112, %get3A_145 : vector<16xf32>
        %add3A_159 = arith.addf %mul3A_157, %mul3A_158 : vector<16xf32>
        %sub3A_160 = arith.constant 1.000000e+00 : f32
        %sub3A_161 = vector.broadcast %sub3A_160 : f32 to vector<16xf32>
        %sub3A_162 = arith.subf %sub3A_161, %get3A_145 : vector<16xf32>
        %mul3A_163 = arith.mulf %get3A_117, %sub3A_162 : vector<16xf32>
        %mul3A_164 = arith.mulf %get3A_122, %get3A_145 : vector<16xf32>
        %add3A_165 = arith.addf %mul3A_163, %mul3A_164 : vector<16xf32>
        %sub3A_166 = arith.constant 1.000000e+00 : f32
        %sub3A_167 = vector.broadcast %sub3A_166 : f32 to vector<16xf32>
        %sub3A_168 = arith.subf %sub3A_167, %get3A_145 : vector<16xf32>
        %mul3A_169 = arith.mulf %get3A_127, %sub3A_168 : vector<16xf32>
        %mul3A_170 = arith.mulf %get3A_132, %get3A_145 : vector<16xf32>
        %add3A_171 = arith.addf %mul3A_169, %mul3A_170 : vector<16xf32>
        %sub3A_172 = arith.constant 1.000000e+00 : f32
        %sub3A_173 = vector.broadcast %sub3A_172 : f32 to vector<16xf32>
        %sub3A_174 = arith.subf %sub3A_173, %get3A_145 : vector<16xf32>
        %mul3A_175 = arith.mulf %get3A_137, %sub3A_174 : vector<16xf32>
        %mul3A_176 = arith.mulf %get3A_142, %get3A_145 : vector<16xf32>
        %add3A_177 = arith.addf %mul3A_175, %mul3A_176 : vector<16xf32>
        %sub3A_178 = arith.constant 1.000000e+00 : f32
        %sub3A_179 = vector.broadcast %sub3A_178 : f32 to vector<16xf32>
        %sub3A_180 = arith.subf %sub3A_179, %get3A_148 : vector<16xf32>
        %mul3A_181 = arith.mulf %add3A_159, %sub3A_180 : vector<16xf32>
        %mul3A_182 = arith.mulf %add3A_165, %get3A_148 : vector<16xf32>
        %add3A_183 = arith.addf %mul3A_181, %mul3A_182 : vector<16xf32>
        %sub3A_184 = arith.constant 1.000000e+00 : f32
        %sub3A_185 = vector.broadcast %sub3A_184 : f32 to vector<16xf32>
        %sub3A_186 = arith.subf %sub3A_185, %get3A_148 : vector<16xf32>
        %mul3A_187 = arith.mulf %add3A_171, %sub3A_186 : vector<16xf32>
        %mul3A_188 = arith.mulf %add3A_177, %get3A_148 : vector<16xf32>
        %add3A_189 = arith.addf %mul3A_187, %mul3A_188 : vector<16xf32>
        %sub3A_190 = arith.constant 1.000000e+00 : f32
        %sub3A_191 = vector.broadcast %sub3A_190 : f32 to vector<16xf32>
        %sub3A_192 = arith.subf %sub3A_191, %get3A_151 : vector<16xf32>
        %mul3A_193 = arith.mulf %add3A_183, %sub3A_192 : vector<16xf32>
        %mul3A_194 = arith.mulf %add3A_189, %get3A_151 : vector<16xf32>
        %add3A_195 = arith.addf %mul3A_193, %mul3A_194 : vector<16xf32>
        %gt3A = arith.constant 5.000000e-01 : f32
        %gt3A_196 = vector.broadcast %gt3A : f32 to vector<16xf32>
        %gt3A_197 = arith.cmpf ogt, %get3A_154, %gt3A_196 : vector<16xf32>
        %jit3A = arith.constant 1.000000e+00 : f32
        %broadcast_in_dim3A = vector.broadcast %jit3A : f32 to vector<16xf32>
        %select_n3A = arith.select %gt3A_197, %broadcast_in_dim3A, %add3A_195 : vector<16xi1>, vector<16xf32>
        %swap3A = arith.index_cast %mul3A_103 : i32 to index
        %swap3A_198 = tpu.vector_load %arg25[%swap3A] {strides = array<i32>} : memref<2240xf32, #tpu.memory_space<vmem>>, vector<16xf32>,
        %swap3A_199 = vector.shape_cast %swap3A_198 : vector<16xf32> to vector<16xf32>
        %swap3A_200 = vector.shape_cast %select_n3A : vector<16xf32> to vector<16xf32>
        tpu.vector_store %arg25[%swap3A], %swap3A_200 {strides = array<i32>} : memref<2240xf32, #tpu.memory_space<vmem>>, vector<16xf32>,
      }
      %scan3A_68 = arith.constant 140 : i32
      %mul3A_69 = arith.constant 32 : i32
      %mul3A_70 = arith.muli %mul3A_8, %mul3A_69 : i32
      %add3A_71 = arith.addi %add3A, %mul3A_70 : i32
      %mul3A_72 = arith.constant 2240 : i32
      %mul3A_73 = arith.muli %add3A_71, %mul3A_72 : i32
      %dma_start3A_74 = tpu.memref_slice %arg6[%mul3A_73] : memref<2007040xf32, #tpu.memory_space<hbm>> -> memref<2240xf32, #tpu.memory_space<hbm>>
      %dma_start3A_75 = tpu.memref_slice %arg6[%mul3A_73] : memref<2007040xf32, #tpu.memory_space<hbm>> -> memref<2240xf32, #tpu.memory_space<hbm>>
      tpu.enqueue_dma source(%arg25 : memref<2240xf32, #tpu.memory_space<vmem>>) target(%dma_start3A_75 : memref<2240xf32, #tpu.memory_space<hbm>>) target_semaphore(%arg31 : memref<!tpu.dma_semaphore, #tpu.memory_space<semaphore_mem>>)
      %dma_wait3A_76 = arith.constant 0 : i32
      %dma_wait3A_77 = tpu.memref_slice %arg5[%dma_wait3A_76] : memref<18874368xf32, #tpu.memory_space<hbm>> -> memref<18874368xf32, #tpu.memory_space<hbm>>
      tpu.wait_indirect_dma semaphore(%arg30 : memref<!tpu.dma_semaphore, #tpu.memory_space<semaphore_mem>>) src(%dma_wait3A_77 : memref<18874368xf32, #tpu.memory_space<hbm>>) dst(%arg16 : memref<17920xf32, #tpu.memory_space<vmem>>)
      %scan3A_78 = arith.constant 0 : i32
      %scan3A_79 = arith.constant 0 : i32
      %scan3A_80 = arith.constant 140 : i32
      %scan3A_81 = arith.addi %scan3A_79, %scan3A_80 : i32
      %scan3A_82 = arith.constant 1 : i32
      scf.for %scan3A_97 = %scan3A_79 to %scan3A_81 step %scan3A_82  : i32 {
        %mul3A_98 = arith.constant 1 : i32
        %mul3A_99 = arith.muli %scan3A_97, %mul3A_98 : i32
        %add3A_100 = arith.constant 0 : i32
        %add3A_101 = arith.addi %mul3A_99, %add3A_100 : i32
        %mul3A_102 = arith.constant 16 : i32
        %mul3A_103 = arith.muli %add3A_101, %mul3A_102 : i32
        %add3A_104 = arith.constant 0 : i32
        %add3A_105 = arith.addi %add3A_104, %mul3A_103 : i32
        %get3A = arith.index_cast %add3A_105 : i32 to index
        %get3A_106 = tpu.vector_load %arg16[%get3A] {strides = array<i32>} : memref<17920xf32, #tpu.memory_space<vmem>>, vector<16xf32>,
        %get3A_107 = vector.shape_cast %get3A_106 : vector<16xf32> to vector<16xf32>
        %add3A_108 = arith.constant 2240 : i32
        %add3A_109 = arith.addi %add3A_108, %mul3A_103 : i32
        %get3A_110 = arith.index_cast %add3A_109 : i32 to index
        %get3A_111 = tpu.vector_load %arg16[%get3A_110] {strides = array<i32>} : memref<17920xf32, #tpu.memory_space<vmem>>, vector<16xf32>,
        %get3A_112 = vector.shape_cast %get3A_111 : vector<16xf32> to vector<16xf32>
        %add3A_113 = arith.constant 4480 : i32
        %add3A_114 = arith.addi %add3A_113, %mul3A_103 : i32
        %get3A_115 = arith.index_cast %add3A_114 : i32 to index
        %get3A_116 = tpu.vector_load %arg16[%get3A_115] {strides = array<i32>} : memref<17920xf32, #tpu.memory_space<vmem>>, vector<16xf32>,
        %get3A_117 = vector.shape_cast %get3A_116 : vector<16xf32> to vector<16xf32>
        %add3A_118 = arith.constant 6720 : i32
        %add3A_119 = arith.addi %add3A_118, %mul3A_103 : i32
        %get3A_120 = arith.index_cast %add3A_119 : i32 to index
        %get3A_121 = tpu.vector_load %arg16[%get3A_120] {strides = array<i32>} : memref<17920xf32, #tpu.memory_space<vmem>>, vector<16xf32>,
        %get3A_122 = vector.shape_cast %get3A_121 : vector<16xf32> to vector<16xf32>
        %add3A_123 = arith.constant 8960 : i32
        %add3A_124 = arith.addi %add3A_123, %mul3A_103 : i32
        %get3A_125 = arith.index_cast %add3A_124 : i32 to index
        %get3A_126 = tpu.vector_load %arg16[%get3A_125] {strides = array<i32>} : memref<17920xf32, #tpu.memory_space<vmem>>, vector<16xf32>,
        %get3A_127 = vector.shape_cast %get3A_126 : vector<16xf32> to vector<16xf32>
        %add3A_128 = arith.constant 11200 : i32
        %add3A_129 = arith.addi %add3A_128, %mul3A_103 : i32
        %get3A_130 = arith.index_cast %add3A_129 : i32 to index
        %get3A_131 = tpu.vector_load %arg16[%get3A_130] {strides = array<i32>} : memref<17920xf32, #tpu.memory_space<vmem>>, vector<16xf32>,
        %get3A_132 = vector.shape_cast %get3A_131 : vector<16xf32> to vector<16xf32>
        %add3A_133 = arith.constant 13440 : i32
        %add3A_134 = arith.addi %add3A_133, %mul3A_103 : i32
        %get3A_135 = arith.index_cast %add3A_134 : i32 to index
        %get3A_136 = tpu.vector_load %arg16[%get3A_135] {strides = array<i32>} : memref<17920xf32, #tpu.memory_space<vmem>>, vector<16xf32>,
        %get3A_137 = vector.shape_cast %get3A_136 : vector<16xf32> to vector<16xf32>
        %add3A_138 = arith.constant 15680 : i32
        %add3A_139 = arith.addi %add3A_138, %mul3A_103 : i32
        %get3A_140 = arith.index_cast %add3A_139 : i32 to index
        %get3A_141 = tpu.vector_load %arg16[%get3A_140] {strides = array<i32>} : memref<17920xf32, #tpu.memory_space<vmem>>, vector<16xf32>,
        %get3A_142 = vector.shape_cast %get3A_141 : vector<16xf32> to vector<16xf32>
        %get3A_143 = arith.index_cast %mul3A_103 : i32 to index
        %get3A_144 = tpu.vector_load %arg18[%get3A_143] {strides = array<i32>} : memref<2240xf32, #tpu.memory_space<vmem>>, vector<16xf32>,
        %get3A_145 = vector.shape_cast %get3A_144 : vector<16xf32> to vector<16xf32>
        %get3A_146 = arith.index_cast %mul3A_103 : i32 to index
        %get3A_147 = tpu.vector_load %arg20[%get3A_146] {strides = array<i32>} : memref<2240xf32, #tpu.memory_space<vmem>>, vector<16xf32>,
        %get3A_148 = vector.shape_cast %get3A_147 : vector<16xf32> to vector<16xf32>
        %get3A_149 = arith.index_cast %mul3A_103 : i32 to index
        %get3A_150 = tpu.vector_load %arg22[%get3A_149] {strides = array<i32>} : memref<2240xf32, #tpu.memory_space<vmem>>, vector<16xf32>,
        %get3A_151 = vector.shape_cast %get3A_150 : vector<16xf32> to vector<16xf32>
        %get3A_152 = arith.index_cast %mul3A_103 : i32 to index
        %get3A_153 = tpu.vector_load %arg24[%get3A_152] {strides = array<i32>} : memref<2240xf32, #tpu.memory_space<vmem>>, vector<16xf32>,
        %get3A_154 = vector.shape_cast %get3A_153 : vector<16xf32> to vector<16xf32>
        %sub3A = arith.constant 1.000000e+00 : f32
        %sub3A_155 = vector.broadcast %sub3A : f32 to vector<16xf32>
        %sub3A_156 = arith.subf %sub3A_155, %get3A_145 : vector<16xf32>
        %mul3A_157 = arith.mulf %get3A_107, %sub3A_156 : vector<16xf32>
        %mul3A_158 = arith.mulf %get3A_112, %get3A_145 : vector<16xf32>
        %add3A_159 = arith.addf %mul3A_157, %mul3A_158 : vector<16xf32>
        %sub3A_160 = arith.constant 1.000000e+00 : f32
        %sub3A_161 = vector.broadcast %sub3A_160 : f32 to vector<16xf32>
        %sub3A_162 = arith.subf %sub3A_161, %get3A_145 : vector<16xf32>
        %mul3A_163 = arith.mulf %get3A_117, %sub3A_162 : vector<16xf32>
        %mul3A_164 = arith.mulf %get3A_122, %get3A_145 : vector<16xf32>
        %add3A_165 = arith.addf %mul3A_163, %mul3A_164 : vector<16xf32>
        %sub3A_166 = arith.constant 1.000000e+00 : f32
        %sub3A_167 = vector.broadcast %sub3A_166 : f32 to vector<16xf32>
        %sub3A_168 = arith.subf %sub3A_167, %get3A_145 : vector<16xf32>
        %mul3A_169 = arith.mulf %get3A_127, %sub3A_168 : vector<16xf32>
        %mul3A_170 = arith.mulf %get3A_132, %get3A_145 : vector<16xf32>
        %add3A_171 = arith.addf %mul3A_169, %mul3A_170 : vector<16xf32>
        %sub3A_172 = arith.constant 1.000000e+00 : f32
        %sub3A_173 = vector.broadcast %sub3A_172 : f32 to vector<16xf32>
        %sub3A_174 = arith.subf %sub3A_173, %get3A_145 : vector<16xf32>
        %mul3A_175 = arith.mulf %get3A_137, %sub3A_174 : vector<16xf32>
        %mul3A_176 = arith.mulf %get3A_142, %get3A_145 : vector<16xf32>
        %add3A_177 = arith.addf %mul3A_175, %mul3A_176 : vector<16xf32>
        %sub3A_178 = arith.constant 1.000000e+00 : f32
        %sub3A_179 = vector.broadcast %sub3A_178 : f32 to vector<16xf32>
        %sub3A_180 = arith.subf %sub3A_179, %get3A_148 : vector<16xf32>
        %mul3A_181 = arith.mulf %add3A_159, %sub3A_180 : vector<16xf32>
        %mul3A_182 = arith.mulf %add3A_165, %get3A_148 : vector<16xf32>
        %add3A_183 = arith.addf %mul3A_181, %mul3A_182 : vector<16xf32>
        %sub3A_184 = arith.constant 1.000000e+00 : f32
        %sub3A_185 = vector.broadcast %sub3A_184 : f32 to vector<16xf32>
        %sub3A_186 = arith.subf %sub3A_185, %get3A_148 : vector<16xf32>
        %mul3A_187 = arith.mulf %add3A_171, %sub3A_186 : vector<16xf32>
        %mul3A_188 = arith.mulf %add3A_177, %get3A_148 : vector<16xf32>
        %add3A_189 = arith.addf %mul3A_187, %mul3A_188 : vector<16xf32>
        %sub3A_190 = arith.constant 1.000000e+00 : f32
        %sub3A_191 = vector.broadcast %sub3A_190 : f32 to vector<16xf32>
        %sub3A_192 = arith.subf %sub3A_191, %get3A_151 : vector<16xf32>
        %mul3A_193 = arith.mulf %add3A_183, %sub3A_192 : vector<16xf32>
        %mul3A_194 = arith.mulf %add3A_189, %get3A_151 : vector<16xf32>
        %add3A_195 = arith.addf %mul3A_193, %mul3A_194 : vector<16xf32>
        %gt3A = arith.constant 5.000000e-01 : f32
        %gt3A_196 = vector.broadcast %gt3A : f32 to vector<16xf32>
        %gt3A_197 = arith.cmpf ogt, %get3A_154, %gt3A_196 : vector<16xf32>
        %jit3A = arith.constant 1.000000e+00 : f32
        %broadcast_in_dim3A = vector.broadcast %jit3A : f32 to vector<16xf32>
        %select_n3A = arith.select %gt3A_197, %broadcast_in_dim3A, %add3A_195 : vector<16xi1>, vector<16xf32>
        %swap3A = arith.index_cast %mul3A_103 : i32 to index
        %swap3A_198 = tpu.vector_load %arg26[%swap3A] {strides = array<i32>} : memref<2240xf32, #tpu.memory_space<vmem>>, vector<16xf32>,
        %swap3A_199 = vector.shape_cast %swap3A_198 : vector<16xf32> to vector<16xf32>
        %swap3A_200 = vector.shape_cast %select_n3A : vector<16xf32> to vector<16xf32>
        tpu.vector_store %arg26[%swap3A], %swap3A_200 {strides = array<i32>} : memref<2240xf32, #tpu.memory_space<vmem>>, vector<16xf32>,
      }
      %scan3A_83 = arith.constant 140 : i32
      %add3A_84 = arith.constant 1 : i32
      %add3A_85 = arith.addi %mul3A_8, %add3A_84 : i32
      %mul3A_86 = arith.constant 32 : i32
      %mul3A_87 = arith.muli %add3A_85, %mul3A_86 : i32
      %add3A_88 = arith.addi %add3A, %mul3A_87 : i32
      %mul3A_89 = arith.constant 2240 : i32
      %mul3A_90 = arith.muli %add3A_88, %mul3A_89 : i32
      %dma_start3A_91 = tpu.memref_slice %arg6[%mul3A_90] : memref<2007040xf32, #tpu.memory_space<hbm>> -> memref<2240xf32, #tpu.memory_space<hbm>>
      %dma_start3A_92 = tpu.memref_slice %arg6[%mul3A_90] : memref<2007040xf32, #tpu.memory_space<hbm>> -> memref<2240xf32, #tpu.memory_space<hbm>>
      tpu.enqueue_dma source(%arg26 : memref<2240xf32, #tpu.memory_space<vmem>>) target(%dma_start3A_92 : memref<2240xf32, #tpu.memory_space<hbm>>) target_semaphore(%arg32 : memref<!tpu.dma_semaphore, #tpu.memory_space<semaphore_mem>>)
      %dma_wait3A_93 = tpu.memref_slice %arg6[%mul3A_73] : memref<2007040xf32, #tpu.memory_space<hbm>> -> memref<2240xf32, #tpu.memory_space<hbm>>
      %dma_wait3A_94 = tpu.memref_slice %arg6[%mul3A_73] : memref<2007040xf32, #tpu.memory_space<hbm>> -> memref<2240xf32, #tpu.memory_space<hbm>>
      tpu.wait_dma2 semaphore(%arg31 : memref<!tpu.dma_semaphore, #tpu.memory_space<semaphore_mem>>) src(%arg25 : memref<2240xf32, #tpu.memory_space<vmem>>) dst(%dma_wait3A_94 : memref<2240xf32, #tpu.memory_space<hbm>>)
      %dma_wait3A_95 = tpu.memref_slice %arg6[%mul3A_90] : memref<2007040xf32, #tpu.memory_space<hbm>> -> memref<2240xf32, #tpu.memory_space<hbm>>
      %dma_wait3A_96 = tpu.memref_slice %arg6[%mul3A_90] : memref<2007040xf32, #tpu.memory_space<hbm>> -> memref<2240xf32, #tpu.memory_space<hbm>>
      tpu.wait_dma2 semaphore(%arg32 : memref<!tpu.dma_semaphore, #tpu.memory_space<semaphore_mem>>) src(%arg26 : memref<2240xf32, #tpu.memory_space<vmem>>) dst(%dma_wait3A_96 : memref<2240xf32, #tpu.memory_space<hbm>>)
    }
    %scan3A_5 = arith.constant 14 : i32
    return
  }
}

</mosaic_0001>

<sc_bundles>
// kernel: kernel.3.cloned.1.call-start
scs
__scs_entry_jumppad:
0x0: {  	(pc) =	sbr.rel $0x88, $3  }
0x1: {  	(tag) =	ssettag $0x0;
	lr =	simm.s32 $0x1  }
0x2: {  	[smem:$0x3F9E] =	sst lr;
	_ =	strace $0xD0000000  }
0x3: {  	_ = 	snop  }
0x4: {  	_ = 	snop  }
0x5: {  	_ = 	snop  }
0x6: {  	_ = 	snop  }
0x7: {  	_ = 	snop  }
__scs_overlays_trampoline_lowered:
0x8: {  	[smem:$0x3FAD] =	sst s0  }
0x9: {  	[smem:$0x3FAE] =	sst s1  }
0xa: {  	[smem:$0x3FAF] =	sst s2  }
0xb: {  	[smem:$0x3FB0] =	sst s3  }
0xc: {  	[smem:$0x3FB1] =	sst s4  }
0xd: {  	[smem:$0x3FB2] =	sst s5  }
0xe: {  	[smem:$0x3FB3] =	sst s6  }
0xf: {  	[smem:$0x3FB4] =	sst s7  }
0x10: {  	[smem:$0x3FB5] =	sst s8  }
0x11: {  	[smem:$0x3FB6] =	sst s9;
	s0 =	simm.s32 @!p0 $0x0  }
0x12: {  	s1 =	sld [smem:$0x3F9C];
	s0 =	simm.s32 @p0 $0x1  }
0x13: {  	[smem:$0x3FB7] =	sst s0;
	s0 =	simm.s32 @!p1 $0x0  }
0x14: {  	s2 =	sld [smem:$0x3F9B];
	s0 =	simm.s32 @p1 $0x1  }
0x15: {  	[smem:$0x3FB8] =	sst s0;
	s0 =	simm.s32 @!p2 $0x0  }
0x16: {  	s3 =	sld [smem:$0x3FDB];
	s0 =	simm.s32 @p2 $0x1  }
0x17: {  	s4 =	simm.s32 $0x1BF5;
	[smem:$0x3FBA] =	sst s0  }
0x18: {  	s0 =	sld [smem:$0x3F9D];
	_ =	swait.ge [sflag:s4], $0x0  }
0x19: {  	s7 =	sld [smem:$0x3F9E]  }
0x1a: {  	s8 =	sadd.s32 $0xFFFFE003, lr  }
0x1b: {  	s9 =	sadd.s32 $0xFFFFFEF7, lr;
	s5 =	simm.s32 $0xFFFFFFFF;
	p2 =	slt.u32 s8, $0xFFFFF086  }
0x1c: {  	p1 =	slt.u32 s9, $0xF7A;
	s5 =	simm.s32 @!p2 $0x0  }
0x1d: {  	s5 =	simm.s32 @p1 $0x1;
	p0 =	seq.s32 s7, s2  }
0x1e: {  	s7 =	smul.u32 @!p0 $0xF7A, s2;
	p2 =	seq.s32 @!p0 s5, $0x0  }
0x1f: {  	s9 =	smul.u32 $0xF7A, s1;
	s8 =	simm.s32 @!p0 $0x1BF5;
	p2 =	por !p2, p0  }
0x20: {  	[sflag:s8] =	ssyncset.s32 @!p0 $0xFFFFF086;
	s6 =	sadd.s32 @!p0 s3, s7;
	s7 =	simm.s32 @!p0 $0x108  }
0x21: {  	s3 =	sadd.s32 s3, s9;
	s6 =	sadd.s32 @!p0 $0x88, s6;
	s7 =	simm.s32 @p2 $0x1082  }
0x22: {  	[simem:s7], [sflag:s8] =	dma.local @!p0 [hbm:s6], $0xF7A  }
0x23: {  	s9 =	sor.u32 $0xD0000000, s2;
	s6 =	simm.s32 $0x108;
	_ =	swait.ge @!p0 [sflag:s8], $0x0  }
0x24: {  	s3 =	sadd.s32 $0x88, s3;
	s6 =	simm.s32 @!p1 $0x1082;
	[sflag:s4] =	ssyncset.s32 $0xFFFFF086  }
0x25: {  	[simem:s6], [sflag:s4] =	dma.local [hbm:s3], $0xF7A  }
0x26: {  	[smem:$0x3F9E] =	sst s1;
	(tag) =	ssettag s2;
	_ =	strace s9  }
0x27: {  	s1 =	sld [smem:$0x3FAE]  }
0x28: {  	s2 =	sld [smem:$0x3FAF]  }
0x29: {  	s4 =	sld [smem:$0x3FB1]  }
0x2a: {  	p0 =	seq.s32 s5, $0x0;
	s5 =	sld [smem:$0x3FB2]  }
0x2b: {  	s6 =	sld [smem:$0x3FB3]  }
0x2c: {  	s7 =	sld [smem:$0x3FB4]  }
0x2d: {  	s3 =	simm.s32 $0x108;
	s8 =	sld [smem:$0x3FB5]  }
0x2e: {  	s3 =	simm.s32 @!p0 $0x1082;
	s9 =	sld [smem:$0x3FB6]  }
0x2f: {  	lr =	sadd.s32 s0, s3;
	s0 =	sld [smem:$0x3FAD]  }
0x30: {  	s3 =	sld [smem:$0x3FB0]  }
0x31: {  	[smem:$0x3FB9] =	sst s10  }
0x32: {  	s10 =	sld [smem:$0x3FB7];
	_ =	sdelay $0x3  }
0x33: {  	p0 =	seq.s32 s10, $0x1;
	s10 =	sld [smem:$0x3FB9];
	_ =	sdelay $0x3  }
0x34: {  	[smem:$0x3FB9] =	sst s10  }
0x35: {  	s10 =	sld [smem:$0x3FB8];
	_ =	sdelay $0x3  }
0x36: {  	p1 =	seq.s32 s10, $0x1;
	s10 =	sld [smem:$0x3FB9];
	_ =	sdelay $0x3  }
0x37: {  	[smem:$0x3FB9] =	sst s10  }
0x38: {  	s10 =	sld [smem:$0x3FBA]  }
0x39: {  	_ = 	snop;
	(pc) =	sbr.ind lr, $3  }
0x3a: {  	_ = 	snop  }
0x3b: {  	_ = 	snop  }
0x3c: {  	p2 =	seq.s32 s10, $0x1;
	s10 =	sld [smem:$0x3FB9]  }
0x3d: {  	_ =	shalt  }
0x3e: {  	_ =	shalt  }
0x3f: {  	_ =	shalt  }
0x40: {  	_ =	shalt  }
0x41: {  	_ =	shalt  }
0x42: {  	_ =	shalt  }
0x43: {  	_ =	shalt  }
0x44: {  	_ =	shalt  }
0x45: {  	_ =	shalt  }
0x46: {  	_ =	shalt  }
0x47: {  	_ =	shalt  }
0x48: {  	_ =	shalt  }
0x49: {  	_ =	shalt  }
0x4a: {  	_ =	shalt  }
0x4b: {  	_ =	shalt  }
0x4c: {  	_ =	shalt  }
0x4d: {  	_ =	shalt  }
0x4e: {  	_ =	shalt  }
0x4f: {  	_ =	shalt  }
0x50: {  	_ =	shalt  }
0x51: {  	_ =	shalt  }
0x52: {  	_ =	shalt  }
0x53: {  	_ =	shalt  }
0x54: {  	_ =	shalt  }
0x55: {  	_ =	shalt  }
0x56: {  	_ =	shalt  }
0x57: {  	_ =	shalt  }
0x58: {  	_ =	shalt  }
0x59: {  	_ =	shalt  }
0x5a: {  	_ =	shalt  }
0x5b: {  	_ =	shalt  }
0x5c: {  	_ =	shalt  }
0x5d: {  	_ =	shalt  }
0x5e: {  	_ =	shalt  }
0x5f: {  	_ =	shalt  }
0x60: {  	_ =	shalt  }
0x61: {  	_ =	shalt  }
0x62: {  	_ =	shalt  }
0x63: {  	_ =	shalt  }
0x64: {  	_ =	shalt  }
0x65: {  	_ =	shalt  }
0x66: {  	_ =	shalt  }
0x67: {  	_ =	shalt  }
0x68: {  	_ =	shalt  }
0x69: {  	_ =	shalt  }
0x6a: {  	_ =	shalt  }
0x6b: {  	_ =	shalt  }
0x6c: {  	_ =	shalt  }
0x6d: {  	_ =	shalt  }
0x6e: {  	_ =	shalt  }
0x6f: {  	_ =	shalt  }
0x70: {  	_ =	shalt  }
0x71: {  	_ =	shalt  }
0x72: {  	_ =	shalt  }
0x73: {  	_ =	shalt  }
0x74: {  	_ =	shalt  }
0x75: {  	_ =	shalt  }
0x76: {  	_ =	shalt  }
0x77: {  	_ =	shalt  }
0x78: {  	_ =	shalt  }
0x79: {  	_ =	shalt  }
0x7a: {  	_ =	shalt  }
0x7b: {  	_ =	shalt  }
0x7c: {  	_ =	shalt  }
0x7d: {  	_ =	shalt  }
0x7e: {  	_ =	shalt  }
0x7f: {  	_ =	shalt  }
0x80: {  	_ =	shalt  }
0x81: {  	_ =	shalt  }
0x82: {  	_ =	shalt  }
0x83: {  	_ =	shalt  }
0x84: {  	_ =	shalt  }
0x85: {  	_ =	shalt  }
0x86: {  	_ =	shalt  }
0x87: {  	_ =	shalt  }
.Lfunc_end0:
.L_simem_size_0:
called_computation.1_lowered:
.L_overlay_start_0:
0x88: {  	s2 =	sld [smem:$0x3FD9]  }
0x89: {  	s3 =	sld [smem:$0x3FFE];
	_ =	sdelay $0x1  }
0x8a: {  	s1 =	srdreg.scid  }
0x8b: {  	s0 =	sand.u32 $0x1, s1  }
0x8c: {  	s16 =	sshll.u32 s0, $0xA;
	s2 =	sadd.s32 s3, s2  }
0x8d: {  	s2 =	sadd.s32 s2, s16  }
0x8e: {  	[smem:$0x3FC5] =	sst s2  }
0x8f: {  	_ = 	snop  }
0x90: {  	(tm) =	ssettm $0x1  }
0x91: {  	s17 =	sld [smem:$0x3FFB];
	_ =	sdelay $0x3  }
0x92: {  	_ =	strace s17  }
0x93: {  	s2 =	sld [smem:$0x3FFC];
	_ =	sdelay $0x3  }
0x94: {  	_ =	strace s2  }
0x95: {  	s2 =	sld [smem:$0x3FFD];
	_ =	sdelay $0x3  }
0x96: {  	_ =	strace s2  }
0x97: {  	_ =	strace $0x8FFFFFFF  }
0x98: {  	s18 =	sld [smem:$0x3FDB];
	_ =	sdelay $0x1  }
0x99: {  	s19 =	simm.s32 $_scs_section_size  }
0x9a: {  	s4 =	simm.s32 $_size__tile_overlayer_lowered;
	s5 =	simm.s32 $_tile_overlayer_lowered  }
0x9b: {  	s22 =	simm.s32 $0x1BFF;
	s21 =	sshll.u32 s5, $0x1;
	s2 =	sadd.s32 s19, s18  }
0x9c: {  	s6 =	simm.s32 $0x0;
	s20 =	sshll.u32 s4, $0x1;
	s4 =	sadd.s32 s21, s2  }
0x9d: {  	[timem:s6], [sflag:s22] =	dma.local [hbm:s4], s20  }
0x9e: {  	_ =	swait.ge [sflag:s22], s20  }
0x9f: {  	s3 =	ssub.s32 $0x0, s20;
	[sflag:s22] =	ssyncset.done $0x0  }
0xa0: {  	[sflag:s22] =	ssyncadd.s32 s3;
	_ =	sdelay $0x1  }
0xa1: {  	s23 =	simm.s32 $0x1B8B  }
0xa2: {  	_ =	swait.ge [sflag:s23], $0x1  }
0xa3: {  	[sflag:s23] =	ssyncset.done $0x0  }
0xa4: {  	s25 =	simm.s32 $0x1B8E;
	s24 =	sld [smem:$0x3FFE];
	[sflag:s23] =	ssyncadd.s32 $0xFFFFFFFF  }
0xa5: {  	s26 =	simm.s32 $execute0_lowered;
	[smem:$0x3FD2] =	sst s25  }
0xa6: {  	s4 =	sshll.u32 s26, $0x1;
	_ =	strace $0x80000049;
	[dreg:$0x1] =	wrdreg $0xFFFFFFFF  }
0xa7: {  	s28 =	simm.s32 $_size_execute0_lowered;
	s2 =	sadd.s32 s2, s4;
	[dreg:$0x0] =	wrdreg $0x0  }
0xa8: {  	s4 =	sshll.u32 s28, $0x1;
	[dreg:$0x2] =	wrdreg s2  }
0xa9: {  	[dreg:$0x3] =	wrdreg s4  }
0xaa: {  	[dreg:$0x4] =	wrdreg $0xC0  }
0xab: {  	_ =	task [dreg:s6], $0x5FFFF  }
0xac: {  	[dreg:$0x1] =	wrdreg $0xFFFFFFFF  }
0xad: {  	[dreg:$0x0] =	wrdreg $0x60  }
0xae: {  	[dreg:$0x2] =	wrdreg s24  }
0xaf: {  	[dreg:$0x3] =	wrdreg $0x9  }
0xb0: {  	_ =	task.clear_ibuf [dreg:s6], $0x4FFFF;
	_ =	strace $0x90000049  }
0xb1: {  	s29 =	simm.s32 $0x9;
	_ =	strace $0x8000004B  }
0xb2: {  	_ =	swait.ge [sflag:s29], $0x1  }
0xb3: {  	[sflag:s29] =	ssyncadd.s32 $0xFFFFFFFF  }
0xb4: {  	_ =	strace $0x9000004B  }
0xb5: {  	_ =	sfence  }
0xb6: {  	s30 =	sld [smem:$0x0];
	_ =	sdelay $0x2  }
0xb7: {  	s31 =	sshll.u32 s1, $0xD;
	s1 =	sshrl.u32 s1, $0x2  }
0xb8: {  	s3 =	sand.u32 $0x4000, s31;
	s1 =	sadd.s32 s1, s30  }
0xb9: {  	s0 =	sor.u32 s3, s0;
	s1 =	sshll.u32 s1, $0x11  }
0xba: {  	s0 =	sor.u32 s1, s0  }
0xbb: {  	s0 =	sadd.s32 $0x8F2B, s0  }
0xbc: {  	[sflag:s0] =	ssyncadd.remote.s32 $0x1  }
0xbd: {  	_ =	sfence.sel $0xFFFF  }
0xbe: {  	[dreg:$0x0] =	wrdreg $0xFFFFFFFF;
	(pc) =	sbr.abs _section_cstart, $3  }
0xbf: {  	[dreg:$0x1] =	wrdreg $0xFFFFFFFF  }
0xc0: {  	_ =	task.clear_ibuf [dreg:s6], $0x2FFFF;
	_ =	strace $0x9FFFFFFF  }
0xc1: {  	(tm) =	ssettm $0x7FFFFFFF  }
tec
execute0_lowered:
.L_overlay_start_1:
0x0: {  	(tag) =	ssettag $0x1  }
0x1: {  	s0 =	rddreg [dreg:$0x0];
	s1 =	simm.s32 $0x0  }
0x2: {  	s30 =	srdreg.scid;
	s9 =	stileid.u32;
	s13 =	simm.s32 $0x900  }
0x3: {  	s14 =	simm.s32 $0x1B00;
	s15 =	simm.s32 $0x2D00;
	s16 =	simm.s32 $0x1  }
0x4: {  	s17 =	simm.s32 $0x4600;
	s18 =	simm.s32 $0x3600;
	s19 =	simm.s32 $0xC200  }
0x5: {  	s20 =	simm.s32 $0x2;
	s21 =	simm.s32 $0x7C00;
	s22 =	simm.s32 $0x10800  }
0x6: {  	s23 =	simm.s32 $0x3;
	s24 =	simm.s32 $0x19600;
	s25 =	simm.s32 $0x4  }
0x7: {  	s26 =	simm.s32 $0x19F00;
	s28 =	simm.s32 $0x5;
	s2 =	sand.u32 $0x1, s30  }
0x8: {  	s29 =	simm.s32 $0x6;
	[smem:$0x7FF] =	sst s1;
	s1 =	ssub.s32 $0x2, s2  }
0x9: {  	s3 =	sadd.s32 $0x200400, s0;
	s4 =	sadd.s32 $0x23D800, s0;
	s5 =	sshrl.u32 s1, $0x1  }
0xa: {  	v0 =	vimm.f32 $1.000000000e+00;
	s6 =	sadd.s32 $0x27AC00, s0;
	s7 =	sadd.s32 $0x2B8000, s0;
	s31 =	ssub.s32 s1, s5  }
0xb: {  	v1 =	vimm.f32 $2.500000000e-01;
	v2 =	vimm.f32 $2.550000000e+02;
	v3 =	vimm.s32 $0xFF;
	s8 =	sadd.s32 $0x400, s0;
	s9 =	sshll.u32 s9, $0x1;
	s0 =	smax.u32 s31, $0x1  }
0xc: {  	v4 =	vimm.s32 $0x200000;
	v5 =	vimm.s32 $0x10;
	v6 =	vimm.s32 $0x8;
	_ =	strace $0x8000004A;
	s1 =	simm.s32 $0x0;
	[dreg:$0x2] =	wrdreg s0  }
.LBB2_1:
0xd: {  	[dreg:$0x3] =	wrdreg s1;
	s31 =	simm.s32 $0x0  }
.LBB2_2:
0xe: {  	s0 =	sshll.u32 s31, $0x6  }
0xf: {  	s0 =	sor.u32 s0, s9  }
0x10: {  	s0 =	sor.u32 s2, s0  }
0x11: {  	s5 =	smul.u32 $0x118, s0;
	_ =	sdelay $0x1  }
0x12: {  	s10 =	simm.s32 $0x0;
	s0 =	sadd.s32 s3, s5  }
0x13: {  	[tilespmem:s10], [sflag:$0x1] =	stream.linear.gather [hbm4b:s0+s10], $0x8C0, $0x38;
	[tilespmem:$0x1A800] =	vst v63  }
0x14: {  	s1 =	simm.s32 $0x1200;
	s12 =	sadd.s32 s4, s5  }
0x15: {  	[tilespmem:s1], [sflag:$0x1] =	stream.linear.gather [hbm4b:s12+s10], $0x8C0, $0x38;
	[tilespmem:$0x1A800] =	vst v63  }
0x16: {  	s11 =	sadd.s32 s6, s5;
	s0 =	sadd.s32 $0x2300, s5;
	s12 =	simm.s32 $0x2400  }
0x17: {  	[tilespmem:s12], [sflag:$0x1] =	stream.linear.gather [hbm4b:s11+s10], $0x8C0, $0x38;
	[tilespmem:$0x1A800] =	vst v63  }
0x18: {  	s11 =	sadd.s32 s3, s0  }
0x19: {  	[tilespmem:s13], [sflag:$0x2] =	stream.linear.gather [hbm4b:s11+s10], $0x8C0, $0x38;
	[tilespmem:$0x1A800] =	vst v63  }
0x1a: {  	s12 =	sadd.s32 s4, s0  }
0x1b: {  	[tilespmem:s14], [sflag:$0x2] =	stream.linear.gather [hbm4b:s12+s10], $0x8C0, $0x38;
	[tilespmem:$0x1A800] =	vst v63  }
0x1c: {  	s11 =	sadd.s32 s6, s0  }
0x1d: {  	[tilespmem:s15], [sflag:$0x2] =	stream.linear.gather [hbm4b:s11+s10], $0x8C0, $0x38;
	[tilespmem:$0x1A800] =	vst v63  }
0x1e: {  	_ =	swait.ge [sflag:s16], $0x8C0  }
0x1f: {  	[sflag:s16] =	ssyncset.done $0x0  }
0x20: {  	[sflag:s16] =	ssyncadd.s32 $0xFFFFF740  }
0x21: {  	_ =	swait.ge [sflag:s16], $0x8C0  }
0x22: {  	[sflag:s16] =	ssyncset.done $0x0  }
0x23: {  	[sflag:s16] =	ssyncadd.s32 $0xFFFFF740  }
0x24: {  	_ =	swait.ge [sflag:s16], $0x8C0  }
0x25: {  	[sflag:s16] =	ssyncset.done $0x0  }
0x26: {  	s12 =	simm.s32 $0x0;
	[sflag:s16] =	ssyncadd.s32 $0xFFFFF740  }
0x27: {  	v7 =	vld [tilespmem:s12+$0x1200]  }
0x28: {  	v8 =	vld [tilespmem:s12+$0x0]  }
0x29: {  	v9 =	vld [tilespmem:s12+$0x2400];
	_ =	sdelay $0x3  }
0x2a: {  	v10 =	vand.u32 $0x7FFFFFFF, v8;
	v11 =	vand.u32 $0x7FFFFFFF, v7  }
0x2b: {  	v12 =	vand.u32 $0x7FFFFFFF, v9;
	vm0 =	vlt.f32 v10, $1.000000000e+00;
	vm1 =	vlt.f32 v11, $1.000000000e+00  }
0x2c: {  	vm10 =	vlt.f32 v12, $1.000000000e+00;
	vm0 =	vmand vm0, vm1  }
0x2d: {  	vm1 =	vmand vm0, vm10  }
0x2e: {  	v13 =	vsel vm1, $0x3F800000, v1  }
0x2f: {  	v8 =	vmul.f32 v13, v8;
	v7 =	vmul.f32 v13, v7  }
0x30: {  	v9 =	vmul.f32 v13, v9  }
0x31: {  	v8 =	vadd.f32 $1.000000000e+00, v8;
	v7 =	vadd.f32 $1.000000000e+00, v7  }
0x32: {  	v9 =	vadd.f32 $1.000000000e+00, v9  }
0x33: {  	v8 =	vmul.f32 $5.000000000e-01, v8;
	v7 =	vmul.f32 $5.000000000e-01, v7  }
0x34: {  	vm11 =	vlt.f32 v11, $4.000000000e+00;
	v11 =	vsel vm1, $0x42FE0000, v2;
	v9 =	vmul.f32 $5.000000000e-01, v9  }
0x35: {  	vm2 =	vlt.f32 v10, $4.000000000e+00;
	v8 =	vmul.f32 v8, v11;
	v7 =	vmul.f32 v7, v11  }
0x36: {  	vm12 =	vlt.f32 v12, $4.000000000e+00;
	vm0 =	vmand vm2, vm11;
	v9 =	vmul.f32 v9, v11  }
0x37: {  	vm0 =	vmand vm0, vm12;
	v8 =	vmax.f32 v8, $0.0e+00;
	v7 =	vmax.f32 v7, $0.0e+00  }
0x38: {  	v8 =	vmin.f32 v8, v11;
	v10 =	vmin.f32 v7, v11;
	v7 =	vmax.f32 v9, $0.0e+00  }
0x39: {  	v9 =	vtrunc.f32 v8;
	v47 =	vtrunc.f32 v10;
	v11 =	vmin.f32 v7, v11  }
0x3a: {  	v14 =	vsel vm1, $0x7, v6;
	v12 =	vcvt.f32.s32 v47;
	v48 =	vtrunc.f32 v11  }
0x3b: {  	v15 =	vsel vm1, $0x7F, v3;
	v9 =	vcvt.f32.s32 v9;
	v13 =	vcvt.f32.s32 v48  }
0x3c: {  	v16 =	vsel vm1, $0xE, v5;
	v7 =	vsel vm1, $0x0, v4;
	v17 =	vshll.u32 v12, v14  }
0x3d: {  	v18 =	vadd.s32 $0x1, v9;
	v19 =	vadd.s32 $0x1, v12;
	v20 =	vshll.u32 v13, v16  }
0x3e: {  	vm13 =	vlt.s32 v18, v15;
	v21 =	vadd.s32 $0x1, v13;
	vm14 =	vlt.s32 v19, v15  }
0x3f: {  	v20 =	vadd.s32 v7, v20;
	v18 =	vsel vm13, v18, v15;
	vm15 =	vlt.s32 v21, v15  }
0x40: {  	v19 =	vsel vm14, v19, v15;
	v15 =	vsel vm15, v21, v15;
	v49 =	vadd.s32 v17, v20  }
0x41: {  	v14 =	vshll.u32 v19, v14;
	v50 =	vadd.s32 v9, v49;
	v21 =	vadd.s32 v18, v49  }
0x42: {  	v15 =	vshll.u32 v15, v16;
	v51 =	vadd.s32 v20, v14;
	v19 =	vnsel vm0, $0xFFFFFFFF, v50  }
0x43: {  	v7 =	vadd.s32 v7, v15;
	v52 =	vnsel vm0, $0xFFFFFFFF, v21;
	v53 =	vadd.s32 v9, v51;
	[tilespmem:s12+$0x3600] =	vst v19  }
0x44: {  	s11 =	sand.u32 $0xFF0, s10;
	v16 =	vadd.s32 v18, v51;
	v17 =	vadd.s32 v17, v7;
	[tilespmem:s12+$0x3EC0] =	vst v52;
	v54 =	vnsel vm0, $0xFFFFFFFF, v53  }
0x45: {  	v55 =	vnsel vm0, $0xFFFFFFFF, v16;
	[tilespmem:s11+$0x4780] =	vst v54;
	v56 =	vadd.s32 v9, v17  }
0x46: {  	v7 =	vadd.s32 v14, v7;
	v58 =	vadd.s32 v18, v17;
	[tilespmem:s12+$0x5040] =	vst v55;
	v57 =	vnsel vm0, $0xFFFFFFFF, v56  }
0x47: {  	v60 =	vadd.s32 v9, v7;
	v9 =	vcvt.s32.f32 v9;
	v59 =	vnsel vm0, $0xFFFFFFFF, v58;
	[tilespmem:s11+$0x5900] =	vst v57  }
0x48: {  	v7 =	vadd.s32 v18, v7;
	v61 =	vnsel vm0, $0xFFFFFFFF, v60;
	[tilespmem:s12+$0x61C0] =	vst v59  }
0x49: {  	s30 =	simm.s32 $0x10;
	v62 =	vnsel vm0, $0xFFFFFFFF, v7;
	v9 =	vsub.f32 v8, v9;
	[tilespmem:s11+$0x6A80] =	vst v61  }
0x4a: {  	v12 =	vcvt.s32.f32 v12;
	v7 =	vld [tilespmem:s30+$0x1200];
	[tilespmem:s12+$0x7340] =	vst v62  }
0x4b: {  	v13 =	vcvt.s32.f32 v13;
	v8 =	vld [tilespmem:s30+$0x0];
	[tilespmem:s12+$0x14E00] =	vst v9  }
0x4c: {  	v63 =	vsel vm0, $0x0, v0;
	v10 =	vsub.f32 v10, v12;
	v9 =	vld [tilespmem:s30+$0x2400]  }
0x4d: {  	v11 =	vsub.f32 v11, v13;
	[tilespmem:s12+$0x18400] =	vst v63  }
0x4e: {  	[tilespmem:s12+$0x16000] =	vst v10  }
0x4f: {  	s1 =	simm.s32 $0x80;
	[tilespmem:s12+$0x17200] =	vst v11  }
.LBB2_3:
0x50: {  	p0 =	sne.s32 s1, $0x22C0;
	v10 =	vand.u32 $0x7FFFFFFF, v8;
	v11 =	vand.u32 $0x7FFFFFFF, v7  }
0x51: {  	v12 =	vand.u32 $0x7FFFFFFF, v9;
	vm0 =	vlt.f32 v10, $1.000000000e+00;
	vm1 =	vlt.f32 v11, $1.000000000e+00  }
0x52: {  	vm0 =	vmand vm0, vm1;
	vm1 =	vlt.f32 v12, $1.000000000e+00  }
0x53: {  	vm1 =	vmand vm0, vm1  }
0x54: {  	v13 =	vsel vm1, $0x3F800000, v1  }
0x55: {  	v8 =	vmul.f32 v13, v8;
	v7 =	vmul.f32 v13, v7  }
0x56: {  	v9 =	vmul.f32 v13, v9  }
0x57: {  	v8 =	vadd.f32 $1.000000000e+00, v8;
	v7 =	vadd.f32 $1.000000000e+00, v7  }
0x58: {  	v9 =	vadd.f32 $1.000000000e+00, v9  }
0x59: {  	v8 =	vmul.f32 $5.000000000e-01, v8;
	v7 =	vmul.f32 $5.000000000e-01, v7  }
0x5a: {  	vm0 =	vlt.f32 v11, $4.000000000e+00;
	v11 =	vsel vm1, $0x42FE0000, v2;
	v9 =	vmul.f32 $5.000000000e-01, v9  }
0x5b: {  	vm2 =	vlt.f32 v10, $4.000000000e+00;
	v8 =	vmul.f32 v8, v11;
	v7 =	vmul.f32 v7, v11  }
0x5c: {  	vm0 =	vmand vm2, vm0;
	vm2 =	vlt.f32 v12, $4.000000000e+00;
	v9 =	vmul.f32 v9, v11  }
0x5d: {  	vm0 =	vmand vm0, vm2;
	v8 =	vmax.f32 v8, $0.0e+00;
	v7 =	vmax.f32 v7, $0.0e+00  }
0x5e: {  	v8 =	vmin.f32 v8, v11;
	v10 =	vmin.f32 v7, v11;
	v7 =	vmax.f32 v9, $0.0e+00  }
0x5f: {  	v9 =	vtrunc.f32 v8;
	v12 =	vtrunc.f32 v10;
	v11 =	vmin.f32 v7, v11  }
0x60: {  	v7 =	vsel vm1, $0x0, v4;
	v12 =	vcvt.f32.s32 v12;
	v13 =	vtrunc.f32 v11  }
0x61: {  	v14 =	vsel vm1, $0x7, v6;
	v9 =	vcvt.f32.s32 v9;
	v13 =	vcvt.f32.s32 v13  }
0x62: {  	v15 =	vsel vm1, $0x7F, v3;
	v16 =	vsel vm1, $0xE, v5;
	v17 =	vshll.u32 v12, v14  }
0x63: {  	v18 =	vadd.s32 $0x1, v9;
	v19 =	vadd.s32 $0x1, v12;
	v20 =	vshll.u32 v13, v16  }
0x64: {  	vm1 =	vlt.s32 v18, v15;
	v21 =	vadd.s32 $0x1, v13;
	v20 =	vadd.s32 v7, v20  }
0x65: {  	v18 =	vsel vm1, v18, v15;
	vm1 =	vlt.s32 v19, v15;
	vm2 =	vlt.s32 v21, v15  }
0x66: {  	v19 =	vsel vm1, v19, v15;
	v15 =	vsel vm2, v21, v15;
	v21 =	vadd.s32 v17, v20  }
0x67: {  	v14 =	vshll.u32 v19, v14;
	v19 =	vadd.s32 v9, v21;
	v21 =	vadd.s32 v18, v21  }
0x68: {  	v15 =	vshll.u32 v15, v16;
	v16 =	vadd.s32 v20, v14;
	v19 =	vnsel vm0, $0xFFFFFFFF, v19  }
0x69: {  	s10 =	sadd.s32 $0x10, s10;
	v7 =	vadd.s32 v7, v15;
	v15 =	vnsel vm0, $0xFFFFFFFF, v21;
	[tilespmem:s30+$0x3600] =	vst v19;
	v19 =	vadd.s32 v9, v16  }
0x6a: {  	s11 =	sand.u32 $0xFF0, s10;
	v17 =	vadd.s32 v17, v7;
	v16 =	vadd.s32 v18, v16;
	[tilespmem:s30+$0x3EC0] =	vst v15;
	v15 =	vnsel vm0, $0xFFFFFFFF, v19  }
0x6b: {  	v19 =	vcvt.s32.f32 v9;
	[tilespmem:s11+$0x4780] =	vst v15;
	v15 =	vnsel vm0, $0xFFFFFFFF, v16;
	v16 =	vadd.s32 v9, v17  }
0x6c: {  	v7 =	vadd.s32 v14, v7;
	[tilespmem:s30+$0x5040] =	vst v15;
	v14 =	vnsel vm0, $0xFFFFFFFF, v16;
	v15 =	vadd.s32 v18, v17  }
0x6d: {  	v9 =	vadd.s32 v9, v7;
	v7 =	vadd.s32 v18, v7;
	[tilespmem:s11+$0x5900] =	vst v14;
	v14 =	vnsel vm0, $0xFFFFFFFF, v15  }
0x6e: {  	v15 =	vsub.f32 v8, v19;
	v8 =	vnsel vm0, $0xFFFFFFFF, v9;
	v9 =	vnsel vm0, $0xFFFFFFFF, v7;
	[tilespmem:s30+$0x61C0] =	vst v14  }
0x6f: {  	s12 =	sshra.s32 s1, $0x2;
	v12 =	vcvt.s32.f32 v12;
	v13 =	vcvt.s32.f32 v13;
	v14 =	vsel vm0, $0x0, v0;
	[tilespmem:s11+$0x6A80] =	vst v8  }
0x70: {  	v7 =	vld [tilespmem:s12+$0x1200];
	[tilespmem:s30+$0x7340] =	vst v9  }
.Ltmp0:
0x71: {  	v10 =	vsub.f32 v10, v12;
	v11 =	vsub.f32 v11, v13;
	v8 =	vld [tilespmem:s12+$0x0];
	[tilespmem:s30+$0x14E00] =	vst v15;
	(pc) =	sbr.rel @p0 .LBB2_3-.Ltmp0, $4  }
0x72: {  	v9 =	vld [tilespmem:s12+$0x2400];
	[tilespmem:s30+$0x18400] =	vst v14  }
0x73: {  	[tilespmem:s30+$0x16000] =	vst v10  }
0x74: {  	[tilespmem:s30+$0x17200] =	vst v11;
	s30 =	smov.u32 s12  }
0x75: {  	s1 =	sadd.s32 $0x40, s1  }
0x76: {  	v10 =	vand.u32 $0x7FFFFFFF, v8;
	v11 =	vand.u32 $0x7FFFFFFF, v7  }
0x77: {  	v12 =	vand.u32 $0x7FFFFFFF, v9;
	vm0 =	vlt.f32 v10, $1.000000000e+00;
	vm1 =	vlt.f32 v11, $1.000000000e+00  }
0x78: {  	vm0 =	vmand vm0, vm1;
	vm13 =	vlt.f32 v12, $1.000000000e+00  }
0x79: {  	vm1 =	vmand vm0, vm13  }
0x7a: {  	v13 =	vsel vm1, $0x3F800000, v1  }
0x7b: {  	v8 =	vmul.f32 v13, v8;
	v7 =	vmul.f32 v13, v7  }
0x7c: {  	v9 =	vmul.f32 v13, v9  }
0x7d: {  	v8 =	vadd.f32 $1.000000000e+00, v8;
	v7 =	vadd.f32 $1.000000000e+00, v7  }
0x7e: {  	v9 =	vadd.f32 $1.000000000e+00, v9  }
0x7f: {  	v8 =	vmul.f32 $5.000000000e-01, v8;
	v7 =	vmul.f32 $5.000000000e-01, v7  }
0x80: {  	vm14 =	vlt.f32 v11, $4.000000000e+00;
	v11 =	vsel vm1, $0x42FE0000, v2;
	v9 =	vmul.f32 $5.000000000e-01, v9  }
0x81: {  	vm2 =	vlt.f32 v10, $4.000000000e+00;
	v8 =	vmul.f32 v8, v11;
	v7 =	vmul.f32 v7, v11  }
0x82: {  	vm15 =	vlt.f32 v12, $4.000000000e+00;
	vm0 =	vmand vm2, vm14;
	v9 =	vmul.f32 v9, v11  }
0x83: {  	vm0 =	vmand vm0, vm15;
	v8 =	vmax.f32 v8, $0.0e+00;
	v7 =	vmax.f32 v7, $0.0e+00  }
0x84: {  	v9 =	vmax.f32 v9, $0.0e+00;
	v8 =	vmin.f32 v8, v11;
	v7 =	vmin.f32 v7, v11  }
0x85: {  	v9 =	vmin.f32 v9, v11;
	v10 =	vtrunc.f32 v8;
	v23 =	vtrunc.f32 v7  }
0x86: {  	v14 =	vsel vm1, $0x7, v6;
	v24 =	vtrunc.f32 v9;
	v12 =	vcvt.f32.s32 v23  }
0x87: {  	v15 =	vsel vm1, $0x7F, v3;
	v10 =	vcvt.f32.s32 v10;
	v13 =	vcvt.f32.s32 v24  }
0x88: {  	v16 =	vsel vm1, $0xE, v5;
	v11 =	vsel vm1, $0x0, v4;
	v17 =	vshll.u32 v12, v14  }
0x89: {  	v18 =	vadd.s32 $0x1, v10;
	v19 =	vadd.s32 $0x1, v12;
	v20 =	vshll.u32 v13, v16  }
0x8a: {  	v21 =	vadd.s32 $0x1, v13;
	vm4 =	vlt.s32 v18, v15;
	v20 =	vadd.s32 v11, v20  }
0x8b: {  	vm5 =	vlt.s32 v19, v15;
	vm6 =	vlt.s32 v21, v15;
	v18 =	vsel vm4, v18, v15  }
0x8c: {  	v19 =	vsel vm5, v19, v15;
	v15 =	vsel vm6, v21, v15;
	v25 =	vadd.s32 v17, v20  }
0x8d: {  	v14 =	vshll.u32 v19, v14;
	v26 =	vadd.s32 v10, v25;
	v21 =	vadd.s32 v18, v25  }
0x8e: {  	v15 =	vshll.u32 v15, v16;
	v27 =	vadd.s32 v20, v14;
	v19 =	vnsel vm0, $0xFFFFFFFF, v26  }
0x8f: {  	s1 =	sadd.s32 $0x10, s10;
	v11 =	vadd.s32 v11, v15;
	v28 =	vnsel vm0, $0xFFFFFFFF, v21;
	[tilespmem:s30+$0x3600] =	vst v19;
	v29 =	vadd.s32 v10, v27  }
0x90: {  	s1 =	sand.u32 $0xFF0, s1;
	v17 =	vadd.s32 v17, v11;
	[tilespmem:s30+$0x3EC0] =	vst v28;
	v16 =	vadd.s32 v18, v27;
	v30 =	vnsel vm0, $0xFFFFFFFF, v29  }
0x91: {  	v31 =	vnsel vm0, $0xFFFFFFFF, v16;
	v32 =	vadd.s32 v10, v17;
	[tilespmem:s1+$0x4780] =	vst v30  }
0x92: {  	v11 =	vadd.s32 v14, v11;
	v34 =	vadd.s32 v18, v17;
	v33 =	vnsel vm0, $0xFFFFFFFF, v32;
	[tilespmem:s30+$0x5040] =	vst v31  }
0x93: {  	v35 =	vcvt.s32.f32 v10;
	v10 =	vadd.s32 v10, v11;
	v36 =	vnsel vm0, $0xFFFFFFFF, v34;
	[tilespmem:s1+$0x5900] =	vst v33  }
0x94: {  	v12 =	vcvt.s32.f32 v12;
	v11 =	vadd.s32 v18, v11;
	v10 =	vnsel vm0, $0xFFFFFFFF, v10;
	[tilespmem:s30+$0x61C0] =	vst v36  }
0x95: {  	v8 =	vsub.f32 v8, v35;
	v11 =	vnsel vm0, $0xFFFFFFFF, v11;
	[tilespmem:s1+$0x6A80] =	vst v10  }
0x96: {  	v7 =	vsub.f32 v7, v12;
	v10 =	vcvt.s32.f32 v13;
	[tilespmem:s30+$0x7340] =	vst v11  }
0x97: {  	[tilespmem:s30+$0x14E00] =	vst v8  }
0x98: {  	v11 =	vsel vm0, $0x0, v0;
	[tilespmem:s30+$0x16000] =	vst v7;
	v8 =	vsub.f32 v9, v10  }
0x99: {  	[tilespmem:s30+$0x18400] =	vst v11  }
0x9a: {  	[tilespmem:s30+$0x17200] =	vst v8;
	(ifvalue) =	ssetifvalue $0xFFFFFFFF  }
0x9b: {  	(ifvalue) =	ssetifvalue $0xFFFFFFFF  }
0x9c: {  	[tilespmem:s19], [sflag:$0x3] =	stream.indirect.gather [hbm4b:s7+s17], $0x1, s18, s17, $0x40b8;
	[tilespmem:$0x1A800] =	vst v63  }
0x9d: {  	_ =	swait.ge [sflag:s20], $0x8C0  }
0x9e: {  	[sflag:s20] =	ssyncset.done $0x0  }
0x9f: {  	[sflag:s20] =	ssyncadd.s32 $0xFFFFF740  }
0xa0: {  	_ =	swait.ge [sflag:s20], $0x8C0  }
0xa1: {  	[sflag:s20] =	ssyncset.done $0x0  }
0xa2: {  	[sflag:s20] =	ssyncadd.s32 $0xFFFFF740  }
0xa3: {  	_ =	swait.ge [sflag:s20], $0x8C0  }
0xa4: {  	[sflag:s20] =	ssyncset.done $0x0  }
0xa5: {  	s12 =	simm.s32 $0x0;
	[sflag:s20] =	ssyncadd.s32 $0xFFFFF740  }
0xa6: {  	v7 =	vld [tilespmem:s12+$0x1B00]  }
0xa7: {  	v8 =	vld [tilespmem:s12+$0x900]  }
0xa8: {  	v9 =	vld [tilespmem:s12+$0x2D00];
	_ =	sdelay $0x3  }
0xa9: {  	v10 =	vand.u32 $0x7FFFFFFF, v8;
	v11 =	vand.u32 $0x7FFFFFFF, v7  }
0xaa: {  	v37 =	vand.u32 $0x7FFFFFFF, v9;
	vm7 =	vlt.f32 v10, $1.000000000e+00;
	vm8 =	vlt.f32 v11, $1.000000000e+00  }
0xab: {  	vm9 =	vlt.f32 v37, $1.000000000e+00;
	vm0 =	vmand vm7, vm8  }
0xac: {  	vm1 =	vmand vm0, vm9  }
0xad: {  	v38 =	vsel vm1, $0x3F800000, v1  }
0xae: {  	v8 =	vmul.f32 v38, v8;
	v7 =	vmul.f32 v38, v7  }
0xaf: {  	v9 =	vmul.f32 v38, v9  }
0xb0: {  	v8 =	vadd.f32 $1.000000000e+00, v8;
	v7 =	vadd.f32 $1.000000000e+00, v7  }
0xb1: {  	v9 =	vadd.f32 $1.000000000e+00, v9  }
0xb2: {  	v8 =	vmul.f32 $5.000000000e-01, v8;
	v7 =	vmul.f32 $5.000000000e-01, v7  }
0xb3: {  	vm10 =	vlt.f32 v11, $4.000000000e+00;
	v11 =	vsel vm1, $0x42FE0000, v2;
	v9 =	vmul.f32 $5.000000000e-01, v9  }
0xb4: {  	vm11 =	vlt.f32 v10, $4.000000000e+00;
	v8 =	vmul.f32 v8, v11;
	v7 =	vmul.f32 v7, v11  }
0xb5: {  	vm12 =	vlt.f32 v37, $4.000000000e+00;
	vm0 =	vmand vm11, vm10;
	v9 =	vmul.f32 v9, v11  }
0xb6: {  	vm0 =	vmand vm0, vm12;
	v8 =	vmax.f32 v8, $0.0e+00;
	v7 =	vmax.f32 v7, $0.0e+00  }
0xb7: {  	v8 =	vmin.f32 v8, v11;
	v10 =	vmin.f32 v7, v11;
	v7 =	vmax.f32 v9, $0.0e+00  }
0xb8: {  	v9 =	vtrunc.f32 v8;
	v39 =	vtrunc.f32 v10;
	v11 =	vmin.f32 v7, v11  }
0xb9: {  	v41 =	vsel vm1, $0x7, v6;
	v12 =	vcvt.f32.s32 v39;
	v40 =	vtrunc.f32 v11  }
0xba: {  	v42 =	vsel vm1, $0x7F, v3;
	v9 =	vcvt.f32.s32 v9;
	v13 =	vcvt.f32.s32 v40  }
0xbb: {  	v43 =	vsel vm1, $0xE, v5;
	v7 =	vsel vm1, $0x0, v4;
	v44 =	vshll.u32 v12, v41  }
0xbc: {  	v45 =	vadd.s32 $0x1, v9;
	v46 =	vadd.s32 $0x1, v12;
	v47 =	vshll.u32 v13, v43  }
0xbd: {  	vm13 =	vlt.s32 v45, v42;
	v48 =	vadd.s32 $0x1, v13;
	vm14 =	vlt.s32 v46, v42  }
0xbe: {  	v20 =	vadd.s32 v7, v47;
	v18 =	vsel vm13, v45, v42;
	vm15 =	vlt.s32 v48, v42  }
0xbf: {  	v19 =	vsel vm14, v46, v42;
	v15 =	vsel vm15, v48, v42;
	v49 =	vadd.s32 v44, v20  }
0xc0: {  	v14 =	vshll.u32 v19, v41;
	v50 =	vadd.s32 v9, v49;
	v21 =	vadd.s32 v18, v49  }
0xc1: {  	v15 =	vshll.u32 v15, v43;
	v51 =	vadd.s32 v20, v14;
	v19 =	vnsel vm0, $0xFFFFFFFF, v50  }
0xc2: {  	s30 =	simm.s32 $0x0;
	v7 =	vadd.s32 v7, v15;
	v52 =	vnsel vm0, $0xFFFFFFFF, v21;
	v53 =	vadd.s32 v9, v51;
	[tilespmem:s12+$0x7C00] =	vst v19  }
0xc3: {  	s11 =	sand.u32 $0xFF0, s30;
	v16 =	vadd.s32 v18, v51;
	v17 =	vadd.s32 v44, v7;
	[tilespmem:s12+$0x84C0] =	vst v52;
	v54 =	vnsel vm0, $0xFFFFFFFF, v53  }
0xc4: {  	v55 =	vnsel vm0, $0xFFFFFFFF, v16;
	[tilespmem:s11+$0x8D80] =	vst v54;
	v56 =	vadd.s32 v9, v17  }
0xc5: {  	v7 =	vadd.s32 v14, v7;
	v58 =	vadd.s32 v18, v17;
	[tilespmem:s12+$0x9640] =	vst v55;
	v57 =	vnsel vm0, $0xFFFFFFFF, v56  }
0xc6: {  	v60 =	vadd.s32 v9, v7;
	v9 =	vcvt.s32.f32 v9;
	v59 =	vnsel vm0, $0xFFFFFFFF, v58;
	[tilespmem:s11+$0x9F00] =	vst v57  }
0xc7: {  	v7 =	vadd.s32 v18, v7;
	v61 =	vnsel vm0, $0xFFFFFFFF, v60;
	[tilespmem:s12+$0xA7C0] =	vst v59  }
0xc8: {  	s10 =	simm.s32 $0x10;
	v62 =	vnsel vm0, $0xFFFFFFFF, v7;
	v9 =	vsub.f32 v8, v9;
	[tilespmem:s11+$0xB080] =	vst v61  }
0xc9: {  	v12 =	vcvt.s32.f32 v12;
	v7 =	vld [tilespmem:s10+$0x1B00];
	[tilespmem:s12+$0xB940] =	vst v62  }
0xca: {  	v13 =	vcvt.s32.f32 v13;
	v8 =	vld [tilespmem:s10+$0x900];
	[tilespmem:s12+$0x15700] =	vst v9  }
0xcb: {  	v63 =	vsel vm0, $0x0, v0;
	v10 =	vsub.f32 v10, v12;
	v9 =	vld [tilespmem:s10+$0x2D00]  }
0xcc: {  	v11 =	vsub.f32 v11, v13;
	[tilespmem:s12+$0x18D00] =	vst v63  }
0xcd: {  	[tilespmem:s12+$0x16900] =	vst v10  }
0xce: {  	s1 =	simm.s32 $0x80;
	[tilespmem:s12+$0x17B00] =	vst v11  }
.LBB2_5:
0xcf: {  	p0 =	sne.s32 s1, $0x22C0;
	v10 =	vand.u32 $0x7FFFFFFF, v8;
	v11 =	vand.u32 $0x7FFFFFFF, v7  }
0xd0: {  	v12 =	vand.u32 $0x7FFFFFFF, v9;
	vm0 =	vlt.f32 v10, $1.000000000e+00;
	vm1 =	vlt.f32 v11, $1.000000000e+00  }
0xd1: {  	vm0 =	vmand vm0, vm1;
	vm1 =	vlt.f32 v12, $1.000000000e+00  }
0xd2: {  	vm1 =	vmand vm0, vm1  }
0xd3: {  	v13 =	vsel vm1, $0x3F800000, v1  }
0xd4: {  	v8 =	vmul.f32 v13, v8;
	v7 =	vmul.f32 v13, v7  }
0xd5: {  	v9 =	vmul.f32 v13, v9  }
0xd6: {  	v8 =	vadd.f32 $1.000000000e+00, v8;
	v7 =	vadd.f32 $1.000000000e+00, v7  }
0xd7: {  	v9 =	vadd.f32 $1.000000000e+00, v9  }
0xd8: {  	v8 =	vmul.f32 $5.000000000e-01, v8;
	v7 =	vmul.f32 $5.000000000e-01, v7  }
0xd9: {  	vm0 =	vlt.f32 v11, $4.000000000e+00;
	v11 =	vsel vm1, $0x42FE0000, v2;
	v9 =	vmul.f32 $5.000000000e-01, v9  }
0xda: {  	vm2 =	vlt.f32 v10, $4.000000000e+00;
	v8 =	vmul.f32 v8, v11;
	v7 =	vmul.f32 v7, v11  }
0xdb: {  	vm0 =	vmand vm2, vm0;
	vm2 =	vlt.f32 v12, $4.000000000e+00;
	v9 =	vmul.f32 v9, v11  }
0xdc: {  	vm0 =	vmand vm0, vm2;
	v8 =	vmax.f32 v8, $0.0e+00;
	v7 =	vmax.f32 v7, $0.0e+00  }
0xdd: {  	v8 =	vmin.f32 v8, v11;
	v10 =	vmin.f32 v7, v11;
	v7 =	vmax.f32 v9, $0.0e+00  }
0xde: {  	v9 =	vtrunc.f32 v8;
	v12 =	vtrunc.f32 v10;
	v11 =	vmin.f32 v7, v11  }
0xdf: {  	v7 =	vsel vm1, $0x0, v4;
	v12 =	vcvt.f32.s32 v12;
	v13 =	vtrunc.f32 v11  }
0xe0: {  	v14 =	vsel vm1, $0x7, v6;
	v9 =	vcvt.f32.s32 v9;
	v13 =	vcvt.f32.s32 v13  }
0xe1: {  	v15 =	vsel vm1, $0x7F, v3;
	v16 =	vsel vm1, $0xE, v5;
	v17 =	vshll.u32 v12, v14  }
0xe2: {  	v18 =	vadd.s32 $0x1, v9;
	v19 =	vadd.s32 $0x1, v12;
	v20 =	vshll.u32 v13, v16  }
0xe3: {  	vm1 =	vlt.s32 v18, v15;
	v21 =	vadd.s32 $0x1, v13;
	v20 =	vadd.s32 v7, v20  }
0xe4: {  	v18 =	vsel vm1, v18, v15;
	vm1 =	vlt.s32 v19, v15;
	vm2 =	vlt.s32 v21, v15  }
0xe5: {  	v19 =	vsel vm1, v19, v15;
	v15 =	vsel vm2, v21, v15;
	v21 =	vadd.s32 v17, v20  }
0xe6: {  	v14 =	vshll.u32 v19, v14;
	v19 =	vadd.s32 v9, v21;
	v21 =	vadd.s32 v18, v21  }
0xe7: {  	v15 =	vshll.u32 v15, v16;
	v16 =	vadd.s32 v20, v14;
	v19 =	vnsel vm0, $0xFFFFFFFF, v19  }
0xe8: {  	s30 =	sadd.s32 $0x10, s30;
	v7 =	vadd.s32 v7, v15;
	v15 =	vnsel vm0, $0xFFFFFFFF, v21;
	[tilespmem:s10+$0x7C00] =	vst v19;
	v19 =	vadd.s32 v9, v16  }
0xe9: {  	s11 =	sand.u32 $0xFF0, s30;
	v17 =	vadd.s32 v17, v7;
	v16 =	vadd.s32 v18, v16;
	[tilespmem:s10+$0x84C0] =	vst v15;
	v15 =	vnsel vm0, $0xFFFFFFFF, v19  }
0xea: {  	v19 =	vcvt.s32.f32 v9;
	[tilespmem:s11+$0x8D80] =	vst v15;
	v15 =	vnsel vm0, $0xFFFFFFFF, v16;
	v16 =	vadd.s32 v9, v17  }
0xeb: {  	v7 =	vadd.s32 v14, v7;
	[tilespmem:s10+$0x9640] =	vst v15;
	v14 =	vnsel vm0, $0xFFFFFFFF, v16;
	v15 =	vadd.s32 v18, v17  }
0xec: {  	v9 =	vadd.s32 v9, v7;
	v7 =	vadd.s32 v18, v7;
	[tilespmem:s11+$0x9F00] =	vst v14;
	v14 =	vnsel vm0, $0xFFFFFFFF, v15  }
0xed: {  	v15 =	vsub.f32 v8, v19;
	v8 =	vnsel vm0, $0xFFFFFFFF, v9;
	v9 =	vnsel vm0, $0xFFFFFFFF, v7;
	[tilespmem:s10+$0xA7C0] =	vst v14  }
0xee: {  	s12 =	sshra.s32 s1, $0x2;
	v12 =	vcvt.s32.f32 v12;
	v13 =	vcvt.s32.f32 v13;
	v14 =	vsel vm0, $0x0, v0;
	[tilespmem:s11+$0xB080] =	vst v8  }
0xef: {  	v7 =	vld [tilespmem:s12+$0x1B00];
	[tilespmem:s10+$0xB940] =	vst v9  }
.Ltmp1:
0xf0: {  	v10 =	vsub.f32 v10, v12;
	v11 =	vsub.f32 v11, v13;
	v8 =	vld [tilespmem:s12+$0x900];
	[tilespmem:s10+$0x15700] =	vst v15;
	(pc) =	sbr.rel @p0 .LBB2_5-.Ltmp1, $4  }
0xf1: {  	v9 =	vld [tilespmem:s12+$0x2D00];
	[tilespmem:s10+$0x18D00] =	vst v14  }
0xf2: {  	[tilespmem:s10+$0x16900] =	vst v10  }
0xf3: {  	[tilespmem:s10+$0x17B00] =	vst v11;
	s10 =	smov.u32 s12  }
0xf4: {  	s1 =	sadd.s32 $0x40, s1  }
0xf5: {  	v10 =	vand.u32 $0x7FFFFFFF, v8;
	v11 =	vand.u32 $0x7FFFFFFF, v7  }
0xf6: {  	v12 =	vand.u32 $0x7FFFFFFF, v9;
	vm0 =	vlt.f32 v10, $1.000000000e+00;
	vm1 =	vlt.f32 v11, $1.000000000e+00  }
0xf7: {  	vm0 =	vmand vm0, vm1;
	vm10 =	vlt.f32 v12, $1.000000000e+00  }
0xf8: {  	vm1 =	vmand vm0, vm10  }
0xf9: {  	v13 =	vsel vm1, $0x3F800000, v1  }
0xfa: {  	v8 =	vmul.f32 v13, v8;
	v7 =	vmul.f32 v13, v7  }
0xfb: {  	v9 =	vmul.f32 v13, v9  }
0xfc: {  	v8 =	vadd.f32 $1.000000000e+00, v8;
	v7 =	vadd.f32 $1.000000000e+00, v7  }
0xfd: {  	v9 =	vadd.f32 $1.000000000e+00, v9  }
0xfe: {  	v8 =	vmul.f32 $5.000000000e-01, v8;
	v7 =	vmul.f32 $5.000000000e-01, v7  }
0xff: {  	vm11 =	vlt.f32 v11, $4.000000000e+00;
	v11 =	vsel vm1, $0x42FE0000, v2;
	v9 =	vmul.f32 $5.000000000e-01, v9  }
0x100: {  	vm2 =	vlt.f32 v10, $4.000000000e+00;
	v8 =	vmul.f32 v8, v11;
	v7 =	vmul.f32 v7, v11  }
0x101: {  	vm12 =	vlt.f32 v12, $4.000000000e+00;
	vm0 =	vmand vm2, vm11;
	v9 =	vmul.f32 v9, v11  }
0x102: {  	vm0 =	vmand vm0, vm12;
	v8 =	vmax.f32 v8, $0.0e+00;
	v7 =	vmax.f32 v7, $0.0e+00  }
0x103: {  	v9 =	vmax.f32 v9, $0.0e+00;
	v8 =	vmin.f32 v8, v11;
	v7 =	vmin.f32 v7, v11  }
0x104: {  	v9 =	vmin.f32 v9, v11;
	v10 =	vtrunc.f32 v8;
	v12 =	vtrunc.f32 v7  }
0x105: {  	v14 =	vsel vm1, $0x7, v6;
	v13 =	vtrunc.f32 v9;
	v12 =	vcvt.f32.s32 v12  }
0x106: {  	v15 =	vsel vm1, $0x7F, v3;
	v10 =	vcvt.f32.s32 v10;
	v13 =	vcvt.f32.s32 v13  }
0x107: {  	v16 =	vsel vm1, $0xE, v5;
	v11 =	vsel vm1, $0x0, v4;
	v17 =	vshll.u32 v12, v14  }
0x108: {  	v18 =	vadd.s32 $0x1, v10;
	v19 =	vadd.s32 $0x1, v12;
	v20 =	vshll.u32 v13, v16  }
0x109: {  	v21 =	vadd.s32 $0x1, v13;
	vm13 =	vlt.s32 v18, v15;
	v20 =	vadd.s32 v11, v20  }
0x10a: {  	vm14 =	vlt.s32 v19, v15;
	vm15 =	vlt.s32 v21, v15;
	v18 =	vsel vm13, v18, v15  }
0x10b: {  	v19 =	vsel vm14, v19, v15;
	v15 =	vsel vm15, v21, v15;
	v58 =	vadd.s32 v17, v20  }
0x10c: {  	v14 =	vshll.u32 v19, v14;
	v59 =	vadd.s32 v10, v58;
	v21 =	vadd.s32 v18, v58  }
0x10d: {  	v15 =	vshll.u32 v15, v16;
	v60 =	vadd.s32 v20, v14;
	v19 =	vnsel vm0, $0xFFFFFFFF, v59  }
0x10e: {  	s1 =	sadd.s32 $0x10, s30;
	v11 =	vadd.s32 v11, v15;
	v15 =	vnsel vm0, $0xFFFFFFFF, v21;
	[tilespmem:s10+$0x7C00] =	vst v19;
	v61 =	vadd.s32 v10, v60  }
0x10f: {  	s1 =	sand.u32 $0xFF0, s1;
	v17 =	vadd.s32 v17, v11;
	[tilespmem:s10+$0x84C0] =	vst v15;
	v16 =	vadd.s32 v18, v60;
	v15 =	vnsel vm0, $0xFFFFFFFF, v61  }
0x110: {  	v62 =	vadd.s32 v10, v17;
	[tilespmem:s1+$0x8D80] =	vst v15;
	v15 =	vnsel vm0, $0xFFFFFFFF, v16  }
0x111: {  	v11 =	vadd.s32 v14, v11;
	v14 =	vnsel vm0, $0xFFFFFFFF, v62;
	[tilespmem:s10+$0x9640] =	vst v15;
	v15 =	vadd.s32 v18, v17  }
0x112: {  	v63 =	vcvt.s32.f32 v10;
	v10 =	vadd.s32 v10, v11;
	[tilespmem:s1+$0x9F00] =	vst v14;
	v14 =	vnsel vm0, $0xFFFFFFFF, v15  }
0x113: {  	v12 =	vcvt.s32.f32 v12;
	v11 =	vadd.s32 v18, v11;
	v10 =	vnsel vm0, $0xFFFFFFFF, v10;
	[tilespmem:s10+$0xA7C0] =	vst v14  }
0x114: {  	v8 =	vsub.f32 v8, v63;
	v11 =	vnsel vm0, $0xFFFFFFFF, v11;
	[tilespmem:s1+$0xB080] =	vst v10  }
0x115: {  	v7 =	vsub.f32 v7, v12;
	v10 =	vcvt.s32.f32 v13;
	[tilespmem:s10+$0xB940] =	vst v11  }
0x116: {  	[tilespmem:s10+$0x15700] =	vst v8  }
0x117: {  	v11 =	vsel vm0, $0x0, v0;
	[tilespmem:s10+$0x16900] =	vst v7;
	v8 =	vsub.f32 v9, v10  }
0x118: {  	[tilespmem:s10+$0x18D00] =	vst v11  }
0x119: {  	[tilespmem:s10+$0x17B00] =	vst v8;
	(ifvalue) =	ssetifvalue $0xFFFFFFFF  }
0x11a: {  	(ifvalue) =	ssetifvalue $0xFFFFFFFF  }
0x11b: {  	[tilespmem:s22], [sflag:$0x4] =	stream.indirect.gather [hbm4b:s7+s17], $0x1, s21, s17, $0x40b8;
	[tilespmem:$0x1A800] =	vst v63  }
0x11c: {  	_ =	swait.ge [sflag:s23], $0x4600  }
0x11d: {  	[sflag:s23] =	ssyncset.done $0x0  }
0x11e: {  	s1 =	simm.s32 $0x0;
	[sflag:s23] =	ssyncadd.s32 $0xFFFFBA00  }
0x11f: {  	v7 =	vld [tilespmem:s1+$0x16000]  }
0x120: {  	v8 =	vld [tilespmem:s1+$0xC200]  }
0x121: {  	v9 =	vld [tilespmem:s1+$0xCAC0]  }
0x122: {  	v10 =	vld [tilespmem:s1+$0xDC40]  }
0x123: {  	v11 =	vld [tilespmem:s1+$0xEDC0]  }
0x124: {  	s10 =	simm.s32 $0x0;
	v12 =	vld [tilespmem:s1+$0xFF40]  }
0x125: {  	s30 =	simm.s32 $0x40;
	s11 =	sand.u32 $0xFF0, s10;
	v13 =	vld [tilespmem:s1+$0x14E00]  }
.LBB2_7:
0x126: {  	p0 =	sne.s32 s30, $0x22C0;
	v14 =	vld [tilespmem:s11+$0xD380]  }
0x127: {  	v15 =	vld [tilespmem:s11+$0xE500]  }
0x128: {  	v16 =	vld [tilespmem:s11+$0xF680];
	_ =	sdelay $0x1  }
0x129: {  	v17 =	vsub.f32 $1.000000000e+00, v13;
	v9 =	vmul.f32 v13, v9;
	v10 =	vmul.f32 v13, v10  }
0x12a: {  	v11 =	vmul.f32 v13, v11;
	v12 =	vmul.f32 v13, v12  }
0x12b: {  	v8 =	vmul.f32 v17, v8;
	v13 =	vmul.f32 v17, v14  }
0x12c: {  	v15 =	vmul.f32 v17, v15;
	v14 =	vld [tilespmem:s1+$0x17200];
	v16 =	vmul.f32 v17, v16;
	v17 =	vsub.f32 $1.000000000e+00, v7  }
0x12d: {  	v8 =	vadd.f32 v8, v9;
	v9 =	vadd.f32 v13, v10  }
0x12e: {  	v10 =	vadd.f32 v15, v11;
	v11 =	vadd.f32 v16, v12  }
0x12f: {  	v8 =	vmul.f32 v8, v17;
	v9 =	vmul.f32 v9, v7  }
0x130: {  	v10 =	vmul.f32 v10, v17;
	v7 =	vmul.f32 v11, v7  }
0x131: {  	v11 =	vsub.f32 $1.000000000e+00, v14  }
0x132: {  	s12 =	sshra.s32 s30, $0x2;
	v9 =	vadd.f32 v9, v8;
	v12 =	vld [tilespmem:s1+$0x18400];
	v10 =	vadd.f32 v7, v10  }
0x133: {  	v7 =	vld [tilespmem:s12+$0x16000]  }
0x134: {  	v11 =	vmul.f32 v9, v11;
	v8 =	vld [tilespmem:s12+$0xC200];
	v13 =	vmul.f32 v10, v14  }
.Ltmp2:
0x135: {  	v9 =	vld [tilespmem:s12+$0xCAC0];
	(pc) =	sbr.rel @p0 .LBB2_7-.Ltmp2, $4  }
0x136: {  	v10 =	vld [tilespmem:s12+$0xDC40];
	v13 =	vadd.f32 v13, v11  }
0x137: {  	v11 =	vld [tilespmem:s12+$0xEDC0];
	vm0 =	vgt.f32 v12, $5.000000000e-01  }
0x138: {  	s10 =	sadd.s32 $0x10, s10;
	v12 =	vld [tilespmem:s12+$0xFF40];
	v14 =	vsel vm0, $0x3F800000, v13  }
0x139: {  	s30 =	sadd.s32 $0x40, s30;
	s11 =	sand.u32 $0xFF0, s10;
	v13 =	vld [tilespmem:s12+$0x14E00];
	[tilespmem:s1+$0x19600] =	vst v14;
	s1 =	smov.u32 s12  }
0x13a: {  	v14 =	vld [tilespmem:s11+$0xD380]  }
0x13b: {  	v15 =	vld [tilespmem:s11+$0xE500]  }
0x13c: {  	v16 =	vld [tilespmem:s11+$0xF680];
	_ =	sdelay $0x1  }
0x13d: {  	v17 =	vsub.f32 $1.000000000e+00, v13;
	v9 =	vmul.f32 v13, v9;
	v10 =	vmul.f32 v13, v10  }
0x13e: {  	v11 =	vmul.f32 v13, v11;
	v12 =	vmul.f32 v13, v12  }
0x13f: {  	v8 =	vmul.f32 v17, v8;
	v13 =	vmul.f32 v17, v14  }
0x140: {  	v63 =	vsub.f32 $1.000000000e+00, v7;
	v14 =	vld [tilespmem:s1+$0x17200];
	v15 =	vmul.f32 v17, v15;
	v16 =	vmul.f32 v17, v16  }
0x141: {  	v8 =	vadd.f32 v8, v9;
	v9 =	vadd.f32 v13, v10  }
0x142: {  	v10 =	vadd.f32 v15, v11;
	v11 =	vadd.f32 v16, v12  }
0x143: {  	v8 =	vmul.f32 v8, v63;
	v9 =	vmul.f32 v9, v7  }
0x144: {  	v10 =	vmul.f32 v10, v63;
	v7 =	vmul.f32 v11, v7  }
0x145: {  	v11 =	vsub.f32 $1.000000000e+00, v14  }
0x146: {  	v12 =	vld [tilespmem:s1+$0x18400];
	v8 =	vadd.f32 v9, v8;
	v7 =	vadd.f32 v7, v10;
	_ =	sdelay $0x1  }
0x147: {  	v8 =	vmul.f32 v8, v11;
	v7 =	vmul.f32 v7, v14;
	_ =	sdelay $0x1  }
0x148: {  	v7 =	vadd.f32 v7, v8  }
0x149: {  	vm0 =	vgt.f32 v12, $5.000000000e-01  }
0x14a: {  	v7 =	vsel vm0, $0x3F800000, v7  }
0x14b: {  	s30 =	sadd.s32 s8, s5;
	s5 =	simm.s32 $0x0;
	[tilespmem:s1+$0x19600] =	vst v7  }
0x14c: {  	[hbm4b:s30+s5] =	stream.linear.scatter [tilespmem:s24], [sflag:$0x5], $0x8C0, $0x38;
	[tilespmem:$0x1A800] =	vst v63  }
0x14d: {  	_ =	swait.ge [sflag:s25], $0x4600  }
0x14e: {  	[sflag:s25] =	ssyncset.done $0x0  }
0x14f: {  	s1 =	simm.s32 $0x0;
	[sflag:s25] =	ssyncadd.s32 $0xFFFFBA00  }
0x150: {  	v7 =	vld [tilespmem:s1+$0x16900]  }
0x151: {  	v8 =	vld [tilespmem:s1+$0x10800]  }
0x152: {  	v9 =	vld [tilespmem:s1+$0x110C0]  }
0x153: {  	v10 =	vld [tilespmem:s1+$0x12240]  }
0x154: {  	v11 =	vld [tilespmem:s1+$0x133C0]  }
0x155: {  	v12 =	vld [tilespmem:s1+$0x14540]  }
0x156: {  	s10 =	simm.s32 $0x40;
	s11 =	sand.u32 $0xFF0, s5;
	v13 =	vld [tilespmem:s1+$0x15700]  }
.LBB2_9:
0x157: {  	p0 =	sne.s32 s10, $0x22C0;
	v14 =	vld [tilespmem:s11+$0x11980]  }
0x158: {  	v15 =	vld [tilespmem:s11+$0x12B00]  }
0x159: {  	v16 =	vld [tilespmem:s11+$0x13C80];
	_ =	sdelay $0x1  }
0x15a: {  	v17 =	vsub.f32 $1.000000000e+00, v13;
	v9 =	vmul.f32 v13, v9;
	v10 =	vmul.f32 v13, v10  }
0x15b: {  	v11 =	vmul.f32 v13, v11;
	v12 =	vmul.f32 v13, v12  }
0x15c: {  	v8 =	vmul.f32 v17, v8;
	v13 =	vmul.f32 v17, v14  }
0x15d: {  	v15 =	vmul.f32 v17, v15;
	v14 =	vld [tilespmem:s1+$0x17B00];
	v16 =	vmul.f32 v17, v16;
	v17 =	vsub.f32 $1.000000000e+00, v7  }
0x15e: {  	v8 =	vadd.f32 v8, v9;
	v9 =	vadd.f32 v13, v10  }
0x15f: {  	v10 =	vadd.f32 v15, v11;
	v11 =	vadd.f32 v16, v12  }
0x160: {  	v8 =	vmul.f32 v8, v17;
	v9 =	vmul.f32 v9, v7  }
0x161: {  	v10 =	vmul.f32 v10, v17;
	v7 =	vmul.f32 v11, v7  }
0x162: {  	v11 =	vsub.f32 $1.000000000e+00, v14  }
0x163: {  	s12 =	sshra.s32 s10, $0x2;
	v9 =	vadd.f32 v9, v8;
	v12 =	vld [tilespmem:s1+$0x18D00];
	v10 =	vadd.f32 v7, v10  }
0x164: {  	v7 =	vld [tilespmem:s12+$0x16900]  }
0x165: {  	v11 =	vmul.f32 v9, v11;
	v8 =	vld [tilespmem:s12+$0x10800];
	v13 =	vmul.f32 v10, v14  }
.Ltmp3:
0x166: {  	v9 =	vld [tilespmem:s12+$0x110C0];
	(pc) =	sbr.rel @p0 .LBB2_9-.Ltmp3, $4  }
0x167: {  	v10 =	vld [tilespmem:s12+$0x12240];
	v13 =	vadd.f32 v13, v11  }
0x168: {  	v11 =	vld [tilespmem:s12+$0x133C0];
	vm0 =	vgt.f32 v12, $5.000000000e-01  }
0x169: {  	s5 =	sadd.s32 $0x10, s5;
	v12 =	vld [tilespmem:s12+$0x14540];
	v14 =	vsel vm0, $0x3F800000, v13  }
0x16a: {  	s10 =	sadd.s32 $0x40, s10;
	s11 =	sand.u32 $0xFF0, s5;
	v13 =	vld [tilespmem:s12+$0x15700];
	[tilespmem:s1+$0x19F00] =	vst v14;
	s1 =	smov.u32 s12  }
0x16b: {  	v14 =	vld [tilespmem:s11+$0x11980]  }
0x16c: {  	v15 =	vld [tilespmem:s11+$0x12B00]  }
0x16d: {  	v16 =	vld [tilespmem:s11+$0x13C80];
	_ =	sdelay $0x1  }
0x16e: {  	v17 =	vsub.f32 $1.000000000e+00, v13;
	v9 =	vmul.f32 v13, v9;
	v10 =	vmul.f32 v13, v10  }
0x16f: {  	v11 =	vmul.f32 v13, v11;
	v12 =	vmul.f32 v13, v12  }
0x170: {  	v8 =	vmul.f32 v17, v8;
	v56 =	vmul.f32 v17, v14  }
0x171: {  	v57 =	vld [tilespmem:s1+$0x17B00];
	v58 =	vsub.f32 $1.000000000e+00, v7;
	v15 =	vmul.f32 v17, v15;
	v16 =	vmul.f32 v17, v16  }
0x172: {  	v8 =	vadd.f32 v8, v9;
	v59 =	vadd.f32 v56, v10  }
0x173: {  	v60 =	vadd.f32 v15, v11;
	v61 =	vadd.f32 v16, v12  }
0x174: {  	v8 =	vmul.f32 v8, v58;
	v9 =	vmul.f32 v59, v7  }
0x175: {  	v10 =	vmul.f32 v60, v58;
	v7 =	vmul.f32 v61, v7  }
0x176: {  	v62 =	vsub.f32 $1.000000000e+00, v57  }
0x177: {  	v63 =	vld [tilespmem:s1+$0x18D00];
	v8 =	vadd.f32 v9, v8;
	v7 =	vadd.f32 v7, v10;
	_ =	sdelay $0x1  }
0x178: {  	v8 =	vmul.f32 v8, v62;
	v7 =	vmul.f32 v7, v57;
	_ =	sdelay $0x1  }
0x179: {  	v7 =	vadd.f32 v7, v8  }
0x17a: {  	vm0 =	vgt.f32 v63, $5.000000000e-01  }
0x17b: {  	v7 =	vsel vm0, $0x3F800000, v7  }
0x17c: {  	s0 =	sadd.s32 s8, s0;
	s30 =	simm.s32 $0x0;
	s31 =	sadd.s32 $0x1, s31;
	[tilespmem:s1+$0x19F00] =	vst v7  }
0x17d: {  	[hbm4b:s0+s30] =	stream.linear.scatter [tilespmem:s26], [sflag:$0x6], $0x8C0, $0x38;
	[tilespmem:$0x1A800] =	vst v63  }
0x17e: {  	p0 =	sne.s32 s31, $0xE;
	_ =	swait.ge [sflag:s28], $0x8C0  }
.Ltmp4:
0x17f: {  	[sflag:s28] =	ssyncset.done $0x0;
	(pc) =	sbr.rel @p0 .LBB2_2-.Ltmp4, $4  }
0x180: {  	[sflag:s28] =	ssyncadd.s32 $0xFFFFF740  }
0x181: {  	_ =	swait.ge [sflag:s29], $0x8C0  }
0x182: {  	[sflag:s29] =	ssyncset.done $0x0  }
0x183: {  	[sflag:s29] =	ssyncadd.s32 $0xFFFFF740  }
0x184: {  	s1 =	rddreg [dreg:$0x3]  }
0x185: {  	s0 =	rddreg [dreg:$0x2];
	s1 =	sadd.s32 $0x1, s1  }
0x186: {  	p0 =	sne.s32 s1, s0  }
.Ltmp5:
0x187: {  	_ = 	snop;
	(pc) =	sbr.rel @p0 .LBB2_1-.Ltmp5, $1  }
0x188: {  	_ =	sdelay $0x3  }
0x189: {  	_ =	sfence.sel $0x180000  }
0x18a: {  	[bflag:$0x0] =	sbarrier.arrive $0xFFFF  }
0x18b: {  	_ =	strace $0x9000004A  }
0x18c: {  	s0 =	stileid.u32;
	[bflag:$0x2] =	sbarrier.arrive $0xFFFF  }
0x18d: {  	p0 =	sne.s32 s0, $0x0;
	s0 =	rddreg [dreg:$0x1]  }
0x18e: {  	s0 =	sadd.s32 @!p0 $0x100000, s0  }
0x18f: {  	[sflag:s0] =	ssyncadd.tile.s32 @!p0 $0x1;
	_ =	shalt  }
.Lfunc_end2:
_tile_overlayer_lowered:
.L_overlay_start_2:
0x190: {  	(tag) =	ssettag $0x2  }
0x191: {  	s0 =	rddreg [dreg:$0x0];
	s2 =	stileid.u32  }
0x192: {  	s1 =	rddreg [dreg:$0x1];
	p0 =	sne.s32 s2, $0x0  }
0x193: {  	s3 =	rddreg [dreg:$0x2];
	[bflag:$0x3] =	sbarrier.arrive $0xFFFF;
	s2 =	simm.s32 @!p0 $0x1C07  }
0x194: {  	[timem:s3], [sflag:s2] =	dma.local @!p0 [hbm:s0], s1  }
0x195: {  	s0 =	simm.s32 @!p0 $0x7  }
0x196: {  	_ =	swait.ge @!p0 [sflag:s0], s1  }
0x197: {  	s1 =	ssub.s32 @!p0 $0x0, s1;
	[sflag:s0] =	ssyncset.done @!p0 $0x0  }
0x198: {  	[sflag:s0] =	ssyncadd.s32 @!p0 s1  }
0x199: {  	[bflag:$0x3] =	sbarrier.arrive $0xFFFF  }
0x19a: {  	_ =	shalt  }

// kernel: sparse-core-data-format-call.cloned.1.call-start
scs
called_computation_lowered:
.L_overlay_start_0:
0x0: {  	s2 =	sld [smem:$0x3FD9]  }
0x1: {  	s3 =	sld [smem:$0x3FFE];
	_ =	sdelay $0x1  }
0x2: {  	s1 =	srdreg.scid  }
0x3: {  	s0 =	sand.u32 $0x1, s1  }
0x4: {  	s18 =	sshll.u32 s0, $0xA;
	s2 =	sadd.s32 s3, s2  }
0x5: {  	s2 =	sadd.s32 s2, s18  }
0x6: {  	[smem:$0x3FC5] =	sst s2  }
0x7: {  	_ = 	snop  }
0x8: {  	s2 =	sld [smem:$0x3FC7];
	(tm) =	ssettm $0x1  }
0x9: {  	s19 =	sld [smem:$0x3FFB];
	_ =	sdelay $0x3  }
0xa: {  	_ =	strace s19  }
0xb: {  	s3 =	sld [smem:$0x3FFC];
	_ =	sdelay $0x3  }
0xc: {  	_ =	strace s3  }
0xd: {  	s3 =	sld [smem:$0x3FFD];
	_ =	sdelay $0x3  }
0xe: {  	_ =	strace s3  }
0xf: {  	_ =	strace $0x8FFFFFFF  }
0x10: {  	s20 =	sld [smem:$0x3FDB];
	_ =	sdelay $0x1  }
0x11: {  	s4 =	simm.s32 $_scs_section_size  }
0x12: {  	s5 =	simm.s32 $_size__tile_overlayer_lowered;
	s6 =	simm.s32 $_tile_overlayer_lowered  }
0x13: {  	s23 =	simm.s32 $0x1BFF;
	s22 =	sshll.u32 s6, $0x1;
	s3 =	sadd.s32 s4, s20  }
0x14: {  	s7 =	simm.s32 $0x0;
	s21 =	sshll.u32 s5, $0x1;
	s5 =	sadd.s32 s22, s3  }
0x15: {  	[timem:s7], [sflag:s23] =	dma.local [hbm:s5], s21  }
0x16: {  	_ =	swait.ge [sflag:s23], s21  }
0x17: {  	s4 =	ssub.s32 $0x0, s21;
	[sflag:s23] =	ssyncset.done $0x0  }
0x18: {  	[sflag:s23] =	ssyncadd.s32 s4;
	_ =	sdelay $0x1  }
0x19: {  	s24 =	simm.s32 $0x1B8B  }
0x1a: {  	_ =	swait.ge [sflag:s24], $0x1  }
0x1b: {  	[sflag:s24] =	ssyncset.done $0x0  }
0x1c: {  	s26 =	simm.s32 $0x1B8E;
	s25 =	sld [smem:$0x3FFE];
	[sflag:s24] =	ssyncadd.s32 $0xFFFFFFFF  }
0x1d: {  	s27 =	simm.s32 $execute0_lowered;
	[smem:$0x3FD2] =	sst s26  }
0x1e: {  	s5 =	sshll.u32 s27, $0x1;
	_ =	strace $0x80000046;
	[dreg:$0x1] =	wrdreg $0xFFFFFFFF  }
0x1f: {  	s28 =	simm.s32 $_size_execute0_lowered;
	s3 =	sadd.s32 s3, s5;
	[dreg:$0x0] =	wrdreg $0x0  }
0x20: {  	s5 =	sshll.u32 s28, $0x1;
	[dreg:$0x2] =	wrdreg s3  }
0x21: {  	[dreg:$0x3] =	wrdreg s5  }
0x22: {  	[dreg:$0x4] =	wrdreg $0xC0  }
0x23: {  	_ =	task [dreg:s7], $0x5FFFF  }
0x24: {  	[dreg:$0x1] =	wrdreg $0xFFFFFFFF  }
0x25: {  	[dreg:$0x0] =	wrdreg $0x60  }
0x26: {  	[dreg:$0x2] =	wrdreg s2  }
0x27: {  	[dreg:$0x3] =	wrdreg s25  }
0x28: {  	[dreg:$0x4] =	wrdreg $0x9  }
0x29: {  	_ =	task.clear_ibuf [dreg:s7], $0x5FFFF;
	_ =	strace $0x90000046  }
0x2a: {  	s29 =	simm.s32 $0x9;
	_ =	strace $0x80000048  }
0x2b: {  	_ =	swait.ge [sflag:s29], $0x1  }
0x2c: {  	[sflag:s29] =	ssyncadd.s32 $0xFFFFFFFF  }
0x2d: {  	_ =	strace $0x90000048  }
0x2e: {  	_ =	sfence  }
0x2f: {  	s30 =	sld [smem:$0x0];
	_ =	sdelay $0x2  }
0x30: {  	s31 =	sshll.u32 s1, $0xD;
	s1 =	sshrl.u32 s1, $0x2  }
0x31: {  	s3 =	sand.u32 $0x4000, s31;
	s1 =	sadd.s32 s1, s30  }
0x32: {  	s0 =	sor.u32 s3, s0;
	s1 =	sshll.u32 s1, $0x11  }
0x33: {  	s0 =	sor.u32 s1, s0  }
0x34: {  	s0 =	sadd.s32 $0x8F2B, s0  }
0x35: {  	[sflag:s0] =	ssyncadd.remote.s32 $0x1  }
0x36: {  	_ =	sfence.sel $0xFFFF  }
0x37: {  	[dreg:$0x0] =	wrdreg $0xFFFFFFFF;
	(pc) =	sbr.abs _section_cstart, $3  }
0x38: {  	[dreg:$0x1] =	wrdreg $0xFFFFFFFF  }
0x39: {  	_ =	task.clear_ibuf [dreg:s7], $0x2FFFF;
	_ =	strace $0x9FFFFFFF  }
0x3a: {  	(tm) =	ssettm $0x7FFFFFFF  }
0x3b: {  	_ =	shalt  }
tec
execute0_lowered:
.L_overlay_start_1:
0x0: {  	(tag) =	ssettag $0x1  }
0x1: {  	s0 =	srdreg.scid  }
0x2: {  	s1 =	sshll.u32 s0, $0x4  }
0x3: {  	s2 =	rddreg [dreg:$0x0];
	s0 =	stileid.u32;
	s1 =	sand.u32 $0x10, s1  }
0x4: {  	s4 =	rddreg [dreg:$0x1];
	s7 =	simm.s32 $0x1;
	s1 =	sor.u32 s0, s1  }
0x5: {  	s8 =	simm.s32 $0x2;
	s9 =	simm.s32 $0x0;
	s3 =	sshll.u32 s1, $0x3  }
0x6: {  	s12 =	simm.s32 $0x0;
	s11 =	simm.s32 $0x0;
	s6 =	ssub.s32 $0x2000, s3  }
.Ltmp0:
0x7: {  	s4 =	sadd.s32 $0x400, s4;
	s5 =	sand.u32 $0xF8, s6;
	(pc) =	sbr.rel .LBB1_1-.Ltmp0, $4  }
0x8: {  	s1 =	rddreg [dreg:$0x2];
	_ =	strace $0x80000047;
	p0 =	sne.s32 s5, $0x0  }
0x9: {  	s6 =	sshrl.u32 s6, $0x8;
	s5 =	simm.s32 $0x1;
	s7 =	simm.s32 @!p0 $0x0  }
0xa: {  	s10 =	smov.u32 s3;
	[sflag:s5] =	ssyncpa.u1 $0x0;
	s6 =	sadd.s32 s7, s6  }
0xb: {  	[sflag:s8] =	ssyncpa.u1 $0x0;
	s8 =	simm.s32 $0x0;
	s7 =	sadd.s32 $0x1, s6  }
.LBB1_9:
0xc: {  	s14 =	sadd.s32 $0x100, s10  }
0xd: {  	p1 =	sgt.s32 s14, $0x1FFF  }
0xe: {  	s14 =	smov.u32 @p1 s3;
	p1 =	sne.s32 s11, s7  }
.Ltmp1:
0xf: {  	p0 =	slt.u32 s11, $0x2;
	(pc) =	sbr.rel @!p1 .LBB1_10-.Ltmp1, $4  }
0x10: {  	s13 =	simm.s32 @!p0 $0x2  }
0x11: {  	s15 =	sadd.s32 $0x1, s11;
	_ =	swait.ge @!p0 [sflag:s13], $0x4000  }
0x12: {  	s12 =	smov.u32 s10;
	s9 =	sadd.s32 $0x4000, s9;
	[sflag:s13] =	ssyncset.done @!p0 $0x0  }
0x13: {  	s11 =	smov.u32 s15;
	s10 =	smov.u32 s14;
	[sflag:s13] =	ssyncadd.s32 @!p0 $0xFFFFC000  }
.LBB1_1:
0x14: {  	p0 =	sge.u32 s11, s6  }
0x15: {  	s13 =	sxor.u32 @!p0 $0xFFFFFFFF, s11  }
0x16: {  	s31 =	sadd.s32 $0xFFFFFFFF, s11;
	s14 =	sshll.u32 @!p0 s10, $0x8;
	s13 =	sshll.u32 @!p0 s13, $0xE  }
0x17: {  	s15 =	simm.s32 @!p0 $0x0;
	s14 =	sadd.s32 @!p0 s2, s14;
	s13 =	sand.u32 @!p0 $0x4000, s13  }
0x18: {  	[tilespmem:s13], [sflag:$0x1] =	stream.linear.gather @!p0 [hbm4b:s14+s15], $0x4000, $0x38;
	[tilespmem:$0x10000] =	vst v63  }
0x19: {  	p0 =	sge.u32 s31, s6  }
.Ltmp2:
0x1a: {  	_ = 	snop;
	(pc) =	sbr.rel @p0 .LBB1_9-.Ltmp2, $1  }
0x1b: {  	_ =	sdelay $0x3  }
0x1c: {  	s13 =	sshll.u32 s9, $0x2;
	_ =	swait.ge [sflag:s5], $0x4000;
	s14 =	sshll.u32 s11, $0xE  }
0x1d: {  	s16 =	simm.s32 $0x0;
	s17 =	simm.s32 $0x0;
	s15 =	sand.u32 $0x10000, s13  }
0x1e: {  	[sflag:s5] =	ssyncset.done $0x0;
	s31 =	sand.u32 $0x4000, s14;
	s14 =	sshrl.u32 s15, $0x2  }
0x1f: {  	[sflag:s5] =	ssyncadd.s32 $0xFFFFC000;
	s13 =	sor.u32 $0x8000, s31;
	s15 =	sor.u32 $0x8000, s14  }
.LBB1_3:
0x20: {  	s18 =	sshra.s32 s16, $0x2  }
0x21: {  	v0 =	vmov s18;
	_ =	sdelay $0x3  }
0x22: {  	p1 =	por $0x1, $0x1;
	s18 =	simm.s32 $0x0  }
.LBB1_4:
0x23: {  	_ = 	snop  }
0x24: {  	s19 =	sshll.u32 s18, $0xA  }
0x25: {  	s19 =	sand.u32 $0x3FFFFC00, s19  }
0x26: {  	s19 =	sadd.s32 s19, s14  }
0x27: {  	v5 =	vld.idx.msk [tilespmem:v0+s19+$0x70 ss:$0x1], $0xffff  }
0x28: {  	v6 =	vld.idx.msk [tilespmem:v0+s19+$0x10 ss:$0x1], $0xffff  }
0x29: {  	v7 =	vld.idx.msk [tilespmem:v0+s19+$0x20 ss:$0x1], $0xffff  }
0x2a: {  	s31 =	sshll.u32 s18, $0x7;
	v1 =	vld.idx.msk [tilespmem:v0+s19+$0x30 ss:$0x1], $0xffff  }
0x2b: {  	s18 =	sand.u32 $0x3FFFFF80, s31;
	v2 =	vld.idx.msk [tilespmem:v0+s19+$0x40 ss:$0x1], $0xffff  }
0x2c: {  	s18 =	sadd.s32 s18, s15;
	v3 =	vld.idx.msk [tilespmem:v0+s19+$0x50 ss:$0x1], $0xffff  }
0x2d: {  	v4 =	vld.idx.msk [tilespmem:v0+s19+$0x60 ss:$0x1], $0xffff;
	[tilespmem:v0+s18+$0x70 ss:$0x1] =	vst.idx.msk $0xffff, v5  }
0x2e: {  	v5 =	vld.idx.msk [tilespmem:v0+s19+$0x0 ss:$0x1], $0xffff;
	[tilespmem:v0+s18+$0x10 ss:$0x1] =	vst.idx.msk $0xffff, v6;
	s19 =	sadd.s32 $0x80, s19  }
0x2f: {  	p0 =	por p1, p1;
	s20 =	simm.s32 $0x6;
	[tilespmem:v0+s18+$0x20 ss:$0x1] =	vst.idx.msk $0xffff, v7;
	v6 =	vld.idx.msk [tilespmem:v0+s19+$0x70 ss:$0x1], $0xffff  }
.LBB1_5:
0x30: {  	p1 =	sne.s32 s20, $0x1;
	v7 =	vld.idx.msk [tilespmem:v0+s19+$0x10 ss:$0x1], $0xffff;
	[tilespmem:v0+s18+$0x30 ss:$0x1] =	vst.idx.msk $0xffff, v1  }
0x31: {  	v8 =	vld.idx.msk [tilespmem:v0+s19+$0x20 ss:$0x1], $0xffff;
	[tilespmem:v0+s18+$0x40 ss:$0x1] =	vst.idx.msk $0xffff, v2  }
0x32: {  	v1 =	vld.idx.msk [tilespmem:v0+s19+$0x30 ss:$0x1], $0xffff;
	[tilespmem:v0+s18+$0x50 ss:$0x1] =	vst.idx.msk $0xffff, v3  }
.Ltmp3:
0x33: {  	v2 =	vld.idx.msk [tilespmem:v0+s19+$0x40 ss:$0x1], $0xffff;
	[tilespmem:v0+s18+$0x60 ss:$0x1] =	vst.idx.msk $0xffff, v4;
	(pc) =	sbr.rel @p1 .LBB1_5-.Ltmp3, $4  }
0x34: {  	v3 =	vld.idx.msk [tilespmem:v0+s19+$0x50 ss:$0x1], $0xffff;
	[tilespmem:v0+s18+$0x0 ss:$0x1] =	vst.idx.msk $0xffff, v5;
	s18 =	sadd.s32 $0x100, s18  }
0x35: {  	v4 =	vld.idx.msk [tilespmem:v0+s19+$0x60 ss:$0x1], $0xffff;
	[tilespmem:v0+s18+$0x70 ss:$0x1] =	vst.idx.msk $0xffff, v6  }
0x36: {  	v5 =	vld.idx.msk [tilespmem:v0+s19+$0x0 ss:$0x1], $0xffff;
	[tilespmem:v0+s18+$0x10 ss:$0x1] =	vst.idx.msk $0xffff, v7;
	s19 =	sadd.s32 $0x80, s19  }
0x37: {  	s20 =	sadd.s32 $0xFFFFFFFF, s20;
	v6 =	vld.idx.msk [tilespmem:v0+s19+$0x70 ss:$0x1], $0xffff;
	[tilespmem:v0+s18+$0x20 ss:$0x1] =	vst.idx.msk $0xffff, v8  }
0x38: {  	_ =	sdelay $0x3  }
0x39: {  	[tilespmem:v0+s18+$0x30 ss:$0x1] =	vst.idx.msk $0xffff, v1  }
0x3a: {  	v1 =	vld.idx.msk [tilespmem:v0+s19+$0x10 ss:$0x1], $0xffff;
	[tilespmem:v0+s18+$0x40 ss:$0x1] =	vst.idx.msk $0xffff, v2  }
0x3b: {  	v2 =	vld.idx.msk [tilespmem:v0+s19+$0x20 ss:$0x1], $0xffff;
	[tilespmem:v0+s18+$0x50 ss:$0x1] =	vst.idx.msk $0xffff, v3  }
0x3c: {  	v61 =	vld.idx.msk [tilespmem:v0+s19+$0x40 ss:$0x1], $0xffff;
	[tilespmem:v0+s18+$0x60 ss:$0x1] =	vst.idx.msk $0xffff, v4  }
0x3d: {  	s31 =	sadd.s32 $0x100, s18;
	v62 =	vld.idx.msk [tilespmem:v0+s19+$0x50 ss:$0x1], $0xffff;
	[tilespmem:v0+s18+$0x0 ss:$0x1] =	vst.idx.msk $0xffff, v5  }
0x3e: {  	v63 =	vld.idx.msk [tilespmem:v0+s19+$0x60 ss:$0x1], $0xffff;
	[tilespmem:v0+s31+$0x70 ss:$0x1] =	vst.idx.msk $0xffff, v6  }
0x3f: {  	v3 =	vld.idx.msk [tilespmem:v0+s19+$0x30 ss:$0x1], $0xffff;
	[tilespmem:v0+s31+$0x10 ss:$0x1] =	vst.idx.msk $0xffff, v1  }
0x40: {  	v1 =	vld.idx.msk [tilespmem:v0+s19+$0x0 ss:$0x1], $0xffff;
	[tilespmem:v0+s31+$0x20 ss:$0x1] =	vst.idx.msk $0xffff, v2  }
.Ltmp4:
0x41: {  	[tilespmem:v0+s31+$0x40 ss:$0x1] =	vst.idx.msk $0xffff, v61;
	(pc) =	sbr.rel @p0 .LBB1_4-.Ltmp4, $4  }
0x42: {  	[tilespmem:v0+s31+$0x50 ss:$0x1] =	vst.idx.msk $0xffff, v62  }
0x43: {  	[tilespmem:v0+s31+$0x60 ss:$0x1] =	vst.idx.msk $0xffff, v63  }
0x44: {  	[tilespmem:v0+s31+$0x30 ss:$0x1] =	vst.idx.msk $0xffff, v3  }
0x45: {  	p1 =	por $0x0, $0x0;
	s18 =	simm.s32 $0x1;
	[tilespmem:v0+s31+$0x0 ss:$0x1] =	vst.idx.msk $0xffff, v1  }
0x46: {  	s17 =	sadd.s32 $0x1, s17  }
0x47: {  	p0 =	sne.s32 s17, $0x8  }
.Ltmp5:
0x48: {  	_ = 	snop;
	(pc) =	sbr.rel @p0 .LBB1_3-.Ltmp5, $2  }
0x49: {  	_ =	sdelay $0x2  }
0x4a: {  	s16 =	sadd.s32 $0x2000, s16  }
.Ltmp6:
0x4b: {  	(pc) =	sbr.rel .LBB1_9-.Ltmp6, $4  }
0x4c: {  	_ = 	snop  }
0x4d: {  	s12 =	sshll.u32 s12, $0x8  }
0x4e: {  	s12 =	sadd.s32 s4, s12  }
0x4f: {  	[hbm4b:s12+s8] =	stream.linear.scatter [tilespmem:s13], [sflag:$0x2], $0x4000, $0x38;
	[tilespmem:$0x10000] =	vst v63  }
.LBB1_10:
0x50: {  	_ =	sfence.sel $0x180000  }
0x51: {  	s2 =	simm.s32 $0x1;
	[bflag:$0x0] =	sbarrier.arrive $0xFFFF  }
0x52: {  	s31 =	simm.s32 $0x2;
	[sflag:s2] =	ssyncpa.u1 $0x1  }
0x53: {  	[sflag:s31] =	ssyncpa.u1 $0x1  }
0x54: {  	p0 =	sne.s32 s0, $0x0;
	_ =	strace $0x90000047  }
0x55: {  	s0 =	sadd.s32 @!p0 $0x100000, s1;
	[bflag:$0x2] =	sbarrier.arrive $0xFFFF  }
0x56: {  	[sflag:s0] =	ssyncadd.tile.s32 @!p0 $0x1;
	_ =	shalt  }
.Lfunc_end1:
_tile_overlayer_lowered:
.L_overlay_start_2:
0x57: {  	(tag) =	ssettag $0x2  }
0x58: {  	s0 =	rddreg [dreg:$0x0];
	s2 =	stileid.u32  }
0x59: {  	s1 =	rddreg [dreg:$0x1];
	p0 =	sne.s32 s2, $0x0  }
0x5a: {  	s3 =	rddreg [dreg:$0x2];
	[bflag:$0x3] =	sbarrier.arrive $0xFFFF;
	s2 =	simm.s32 @!p0 $0x1C01  }
0x5b: {  	[timem:s3], [sflag:s2] =	dma.local @!p0 [hbm:s0], s1  }
0x5c: {  	s0 =	simm.s32 @!p0 $0x1  }
0x5d: {  	_ =	swait.ge @!p0 [sflag:s0], s1  }
0x5e: {  	s1 =	ssub.s32 @!p0 $0x0, s1;
	[sflag:s0] =	ssyncset.done @!p0 $0x0  }
0x5f: {  	[sflag:s0] =	ssyncadd.s32 @!p0 s1  }
0x60: {  	[bflag:$0x3] =	sbarrier.arrive $0xFFFF  }
0x61: {  	_ =	shalt  }

</sc_bundles>
